<compile_context>
chip_gen: v7x
topology: tpu7x:2x2x1
jax: 0.10.2.dev20260603
libtpu: 0.0.44.dev20260713+nightly
codegen_flags: <defaults>
</compile_context>

<pallas_src>
import functools

import jax
import jax.numpy as jnp
from jax import lax
from jax.experimental import pallas as pl
from jax.experimental.pallas import tpu as pltpu
from jax.experimental.pallas import tpu_sc as plsc

B = 4096
DIM = 128
LANES = 16
NUM_WORKERS = 32
B_PER_W = B // NUM_WORKERS
CHUNKS = DIM // LANES


N_PIPE = 4
ROWS_PER_PIPE = B_PER_W // N_PIPE


def _body(cfc1_hbm, x_hbm, afc1_hbm, y_hbm, out_hbm,
          idx_x, idx_y, rows_x, rows_y, pbuf, out_v, sem_ix, sem_iy,
          *sems):
    num_cores = 2
    wid = lax.axis_index("s") * num_cores + lax.axis_index("c")
    base = wid * B_PER_W

    cpi_x = pltpu.async_copy(x_hbm.at[pl.ds(base, B_PER_W)], idx_x, sem_ix)
    cpi_y = pltpu.async_copy(y_hbm.at[pl.ds(base, B_PER_W)], idx_y, sem_iy)

    copies = [None] * (2 * N_PIPE)
    cpi_x.wait()
    for p in range(N_PIPE):
        rows = pl.ds(p * ROWS_PER_PIPE, ROWS_PER_PIPE)
        copies[2 * p] = pltpu.async_copy(
            cfc1_hbm.at[idx_x.at[rows]], rows_x.at[rows], sems[2 * p])
    cpi_y.wait()
    for p in range(N_PIPE):
        rows = pl.ds(p * ROWS_PER_PIPE, ROWS_PER_PIPE)
        copies[2 * p + 1] = pltpu.async_copy(
            afc1_hbm.at[idx_y.at[rows]], rows_y.at[rows], sems[2 * p + 1])

    lane = lax.iota(jnp.int32, LANES)

    def row(r, _):
        acc = rows_x[r, pl.ds(0, LANES)] * rows_y[r, pl.ds(0, LANES)]
        for c in range(1, CHUNKS):
            acc = acc + (rows_x[r, pl.ds(c * LANES, LANES)]
                         * rows_y[r, pl.ds(c * LANES, LANES)])
        pbuf[pl.ds(r * (LANES + 1), LANES)] = acc
        return _

    def group(g, _):
        flat = (g * LANES + lane) * (LANES + 1)
        acc = plsc.load_gather(pbuf, [flat])
        for k in range(1, LANES):
            acc = acc + plsc.load_gather(pbuf, [flat + k])
        out_v[pl.ds(g * LANES, LANES)] = acc
        return _

    for p in range(N_PIPE):
        copies[2 * p].wait()
        copies[2 * p + 1].wait()

        @plsc.parallel_loop(p * ROWS_PER_PIPE, (p + 1) * ROWS_PER_PIPE)
        def _(r):
            row(r, 0)

        @plsc.parallel_loop(p * ROWS_PER_PIPE // LANES,
                            (p + 1) * ROWS_PER_PIPE // LANES)
        def _(g):
            group(g, 0)

    pltpu.sync_copy(out_v, out_hbm.at[pl.ds(base, B_PER_W)])


@jax.jit
def kernel(x, y, cfc1_weight, afc1_weight):
    mesh = plsc.VectorSubcoreMesh(core_axis_name="c", subcore_axis_name="s")
    run = pl.kernel(
        _body,
        out_type=jax.ShapeDtypeStruct((B,), jnp.float32),
        mesh=mesh,
        scratch_types=[
            pltpu.VMEM((B_PER_W,), jnp.int32),
            pltpu.VMEM((B_PER_W,), jnp.int32),
            pltpu.VMEM((B_PER_W, DIM), jnp.float32),
            pltpu.VMEM((B_PER_W, DIM), jnp.float32),
            pltpu.VMEM((B_PER_W * (LANES + 1),), jnp.float32),
            pltpu.VMEM((B_PER_W,), jnp.float32),
            pltpu.SemaphoreType.DMA,
            pltpu.SemaphoreType.DMA,
        ] + [pltpu.SemaphoreType.DMA] * (2 * N_PIPE),
        compiler_params=pltpu.CompilerParams(needs_layout_passes=False),
    )
    return run(cfc1_weight, x, afc1_weight, y)

# --- scband reference (transcript-rebuilt; emitter-appended) ---
"""Pipeline reference for scband-two-tower-37615323578740 (READ-ONLY COPY).

The authoritative reference and input builder live on the scoring server;
editing this copy changes nothing except your own understanding.
"""

import jax, jax.numpy as jnp
import numpy as np

B = 4096
VOCAB_ART = 100000
VOCAB_CUST = 100000
DIM = 128

def setup_inputs(seed: int = 0) -> dict:
    key = jax.random.key(seed)
    k1, k2, k3, k4 = jax.random.split(key, 4)
    x = jax.random.randint(k1, (B,), 0, VOCAB_CUST, dtype=jnp.int64 if jax.config.jax_enable_x64 else jnp.int32).astype(jnp.int32)
    y = jax.random.randint(k2, (B,), 0, VOCAB_ART, dtype=jnp.int64 if jax.config.jax_enable_x64 else jnp.int32).astype(jnp.int32)
    # nn.Embedding default init: N(0, 1)
    cfc1_weight = jax.random.normal(k3, (VOCAB_CUST, DIM), dtype=jnp.float32)
    afc1_weight = jax.random.normal(k4, (VOCAB_ART, DIM), dtype=jnp.float32)
    return {"x": x, "y": y, "cfc1_weight": cfc1_weight, "afc1_weight": afc1_weight}

def reference(x, y, cfc1_weight, afc1_weight):
    # x = self.cfc1(x); y = self.afc1(y)
    xe = jnp.take(cfc1_weight, x, axis=0)  # [B, D]
    ye = jnp.take(afc1_weight, y, axis=0)  # [B, D]
    # torch.matmul(x, y.T).diag()
    scores = jnp.matmul(xe, ye.T)  # [B, B]
    return jnp.diagonal(scores)  # [B]

if __name__ == "__main__":
    import jax
    _d = setup_inputs()
    print(jax.jit(kernel)(*tuple(_d.values())))

</pallas_src>

<mosaic_0001>
#map = affine_map<(d0, d1) -> (0, 0)>
#map1 = affine_map<(d0, d1) -> (0)>
module attributes {stable_mosaic.version = 14 : i64} {
  func.func @_body(%arg0: i32, %arg1: i32, %arg2: memref<100000x128xf32, #tpu.memory_space<hbm>>, %arg3: memref<4096xi32, #tpu.memory_space<hbm>>, %arg4: memref<100000x128xf32, #tpu.memory_space<hbm>>, %arg5: memref<4096xi32, #tpu.memory_space<hbm>>, %arg6: memref<4096xf32, #tpu.memory_space<hbm>>, %arg7: memref<128xi32, #tpu.memory_space<vmem>>, %arg8: memref<128xi32, #tpu.memory_space<vmem>>, %arg9: memref<128x128xf32, #tpu.memory_space<vmem>>, %arg10: memref<128x128xf32, #tpu.memory_space<vmem>>, %arg11: memref<2176xf32, #tpu.memory_space<vmem>>, %arg12: memref<128xf32, #tpu.memory_space<vmem>>, %arg13: memref<!tpu.dma_semaphore, #tpu.memory_space<semaphore_mem>>, %arg14: memref<!tpu.dma_semaphore, #tpu.memory_space<semaphore_mem>>, %arg15: memref<!tpu.dma_semaphore, #tpu.memory_space<semaphore_mem>>, %arg16: memref<!tpu.dma_semaphore, #tpu.memory_space<semaphore_mem>>, %arg17: memref<!tpu.dma_semaphore, #tpu.memory_space<semaphore_mem>>, %arg18: memref<!tpu.dma_semaphore, #tpu.memory_space<semaphore_mem>>, %arg19: memref<!tpu.dma_semaphore, #tpu.memory_space<semaphore_mem>>, %arg20: memref<!tpu.dma_semaphore, #tpu.memory_space<semaphore_mem>>, %arg21: memref<!tpu.dma_semaphore, #tpu.memory_space<semaphore_mem>>, %arg22: memref<!tpu.dma_semaphore, #tpu.memory_space<semaphore_mem>>) attributes {dimension_semantics = [#tpu.dimension_semantics<core_parallel>, #tpu.dimension_semantics<subcore_parallel>], iteration_bounds = array<i64: 2, 16>, scalar_prefetch = 0 : i64, scratch_operands = 16 : i64, tpu.core_type = #tpu.core_type<sc_vector_subcore>, window_params = [{transform_indices = #map}, {transform_indices = #map1}, {transform_indices = #map}, {transform_indices = #map1}, {transform_indices = #map1}]} {
    %mul3A = arith.constant 2 : i32
    %mul3A_0 = arith.muli %arg1, %mul3A : i32
    %add3A = arith.addi %mul3A_0, %arg0 : i32
    %mul3A_1 = arith.constant 128 : i32
    %mul3A_2 = arith.muli %add3A, %mul3A_1 : i32
    %dma_start3A = tpu.memref_slice %arg3[%mul3A_2] : memref<4096xi32, #tpu.memory_space<hbm>> -> memref<128xi32, #tpu.memory_space<hbm>>
    %dma_start3A_3 = tpu.memref_slice %arg3[%mul3A_2] : memref<4096xi32, #tpu.memory_space<hbm>> -> memref<128xi32, #tpu.memory_space<hbm>>
    tpu.enqueue_dma source(%dma_start3A_3 : memref<128xi32, #tpu.memory_space<hbm>>) target(%arg7 : memref<128xi32, #tpu.memory_space<vmem>>) target_semaphore(%arg13 : memref<!tpu.dma_semaphore, #tpu.memory_space<semaphore_mem>>)
    %dma_start3A_4 = tpu.memref_slice %arg5[%mul3A_2] : memref<4096xi32, #tpu.memory_space<hbm>> -> memref<128xi32, #tpu.memory_space<hbm>>
    %dma_start3A_5 = tpu.memref_slice %arg5[%mul3A_2] : memref<4096xi32, #tpu.memory_space<hbm>> -> memref<128xi32, #tpu.memory_space<hbm>>
    tpu.enqueue_dma source(%dma_start3A_5 : memref<128xi32, #tpu.memory_space<hbm>>) target(%arg8 : memref<128xi32, #tpu.memory_space<vmem>>) target_semaphore(%arg14 : memref<!tpu.dma_semaphore, #tpu.memory_space<semaphore_mem>>)
    %dma_wait3A = tpu.memref_slice %arg3[%mul3A_2] : memref<4096xi32, #tpu.memory_space<hbm>> -> memref<128xi32, #tpu.memory_space<hbm>>
    %dma_wait3A_6 = tpu.memref_slice %arg3[%mul3A_2] : memref<4096xi32, #tpu.memory_space<hbm>> -> memref<128xi32, #tpu.memory_space<hbm>>
    tpu.wait_dma2 semaphore(%arg13 : memref<!tpu.dma_semaphore, #tpu.memory_space<semaphore_mem>>) src(%dma_wait3A_6 : memref<128xi32, #tpu.memory_space<hbm>>) dst(%arg7 : memref<128xi32, #tpu.memory_space<vmem>>)
    %dma_start3A_7 = arith.constant 0 : i32
    %dma_start3A_8 = arith.constant 0 : i32
    %dma_start3A_9 = tpu.memref_slice %arg9[%dma_start3A_7, %dma_start3A_8] : memref<128x128xf32, #tpu.memory_space<vmem>> -> memref<32x128xf32, #tpu.memory_space<vmem>>
    %dma_start3A_10 = arith.constant 0 : i32
    %dma_start3A_11 = tpu.memref_slice %arg7[%dma_start3A_10] : memref<128xi32, #tpu.memory_space<vmem>> -> memref<32xi32, #tpu.memory_space<vmem>>
    %dma_start3A_12 = arith.constant 0 : i32
    %dma_start3A_13 = arith.constant 0 : i32
    %dma_start3A_14 = tpu.memref_slice %arg2[%dma_start3A_12, %dma_start3A_13] : memref<100000x128xf32, #tpu.memory_space<hbm>> -> memref<100000x128xf32, #tpu.memory_space<hbm>>
    tpu.enqueue_indirect_dma source(%dma_start3A_14 : memref<100000x128xf32, #tpu.memory_space<hbm>>) target(%dma_start3A_9 : memref<32x128xf32, #tpu.memory_space<vmem>>) offsets(%dma_start3A_11 : memref<32xi32, #tpu.memory_space<vmem>>) semaphore(%arg15 : memref<!tpu.dma_semaphore, #tpu.memory_space<semaphore_mem>>)
    %dma_start3A_15 = arith.constant 32 : i32
    %dma_start3A_16 = arith.constant 0 : i32
    %dma_start3A_17 = tpu.memref_slice %arg9[%dma_start3A_15, %dma_start3A_16] : memref<128x128xf32, #tpu.memory_space<vmem>> -> memref<32x128xf32, #tpu.memory_space<vmem>>
    %dma_start3A_18 = arith.constant 32 : i32
    %dma_start3A_19 = tpu.memref_slice %arg7[%dma_start3A_18] : memref<128xi32, #tpu.memory_space<vmem>> -> memref<32xi32, #tpu.memory_space<vmem>>
    %dma_start3A_20 = arith.constant 0 : i32
    %dma_start3A_21 = arith.constant 0 : i32
    %dma_start3A_22 = tpu.memref_slice %arg2[%dma_start3A_20, %dma_start3A_21] : memref<100000x128xf32, #tpu.memory_space<hbm>> -> memref<100000x128xf32, #tpu.memory_space<hbm>>
    tpu.enqueue_indirect_dma source(%dma_start3A_22 : memref<100000x128xf32, #tpu.memory_space<hbm>>) target(%dma_start3A_17 : memref<32x128xf32, #tpu.memory_space<vmem>>) offsets(%dma_start3A_19 : memref<32xi32, #tpu.memory_space<vmem>>) semaphore(%arg17 : memref<!tpu.dma_semaphore, #tpu.memory_space<semaphore_mem>>)
    %dma_start3A_23 = arith.constant 64 : i32
    %dma_start3A_24 = arith.constant 0 : i32
    %dma_start3A_25 = tpu.memref_slice %arg9[%dma_start3A_23, %dma_start3A_24] : memref<128x128xf32, #tpu.memory_space<vmem>> -> memref<32x128xf32, #tpu.memory_space<vmem>>
    %dma_start3A_26 = arith.constant 64 : i32
    %dma_start3A_27 = tpu.memref_slice %arg7[%dma_start3A_26] : memref<128xi32, #tpu.memory_space<vmem>> -> memref<32xi32, #tpu.memory_space<vmem>>
    %dma_start3A_28 = arith.constant 0 : i32
    %dma_start3A_29 = arith.constant 0 : i32
    %dma_start3A_30 = tpu.memref_slice %arg2[%dma_start3A_28, %dma_start3A_29] : memref<100000x128xf32, #tpu.memory_space<hbm>> -> memref<100000x128xf32, #tpu.memory_space<hbm>>
    tpu.enqueue_indirect_dma source(%dma_start3A_30 : memref<100000x128xf32, #tpu.memory_space<hbm>>) target(%dma_start3A_25 : memref<32x128xf32, #tpu.memory_space<vmem>>) offsets(%dma_start3A_27 : memref<32xi32, #tpu.memory_space<vmem>>) semaphore(%arg19 : memref<!tpu.dma_semaphore, #tpu.memory_space<semaphore_mem>>)
    %dma_start3A_31 = arith.constant 96 : i32
    %dma_start3A_32 = arith.constant 0 : i32
    %dma_start3A_33 = tpu.memref_slice %arg9[%dma_start3A_31, %dma_start3A_32] : memref<128x128xf32, #tpu.memory_space<vmem>> -> memref<32x128xf32, #tpu.memory_space<vmem>>
    %dma_start3A_34 = arith.constant 96 : i32
    %dma_start3A_35 = tpu.memref_slice %arg7[%dma_start3A_34] : memref<128xi32, #tpu.memory_space<vmem>> -> memref<32xi32, #tpu.memory_space<vmem>>
    %dma_start3A_36 = arith.constant 0 : i32
    %dma_start3A_37 = arith.constant 0 : i32
    %dma_start3A_38 = tpu.memref_slice %arg2[%dma_start3A_36, %dma_start3A_37] : memref<100000x128xf32, #tpu.memory_space<hbm>> -> memref<100000x128xf32, #tpu.memory_space<hbm>>
    tpu.enqueue_indirect_dma source(%dma_start3A_38 : memref<100000x128xf32, #tpu.memory_space<hbm>>) target(%dma_start3A_33 : memref<32x128xf32, #tpu.memory_space<vmem>>) offsets(%dma_start3A_35 : memref<32xi32, #tpu.memory_space<vmem>>) semaphore(%arg21 : memref<!tpu.dma_semaphore, #tpu.memory_space<semaphore_mem>>)
    %dma_wait3A_39 = tpu.memref_slice %arg5[%mul3A_2] : memref<4096xi32, #tpu.memory_space<hbm>> -> memref<128xi32, #tpu.memory_space<hbm>>
    %dma_wait3A_40 = tpu.memref_slice %arg5[%mul3A_2] : memref<4096xi32, #tpu.memory_space<hbm>> -> memref<128xi32, #tpu.memory_space<hbm>>
    tpu.wait_dma2 semaphore(%arg14 : memref<!tpu.dma_semaphore, #tpu.memory_space<semaphore_mem>>) src(%dma_wait3A_40 : memref<128xi32, #tpu.memory_space<hbm>>) dst(%arg8 : memref<128xi32, #tpu.memory_space<vmem>>)
    %dma_start3A_41 = arith.constant 0 : i32
    %dma_start3A_42 = arith.constant 0 : i32
    %dma_start3A_43 = tpu.memref_slice %arg10[%dma_start3A_41, %dma_start3A_42] : memref<128x128xf32, #tpu.memory_space<vmem>> -> memref<32x128xf32, #tpu.memory_space<vmem>>
    %dma_start3A_44 = arith.constant 0 : i32
    %dma_start3A_45 = tpu.memref_slice %arg8[%dma_start3A_44] : memref<128xi32, #tpu.memory_space<vmem>> -> memref<32xi32, #tpu.memory_space<vmem>>
    %dma_start3A_46 = arith.constant 0 : i32
    %dma_start3A_47 = arith.constant 0 : i32
    %dma_start3A_48 = tpu.memref_slice %arg4[%dma_start3A_46, %dma_start3A_47] : memref<100000x128xf32, #tpu.memory_space<hbm>> -> memref<100000x128xf32, #tpu.memory_space<hbm>>
    tpu.enqueue_indirect_dma source(%dma_start3A_48 : memref<100000x128xf32, #tpu.memory_space<hbm>>) target(%dma_start3A_43 : memref<32x128xf32, #tpu.memory_space<vmem>>) offsets(%dma_start3A_45 : memref<32xi32, #tpu.memory_space<vmem>>) semaphore(%arg16 : memref<!tpu.dma_semaphore, #tpu.memory_space<semaphore_mem>>)
    %dma_start3A_49 = arith.constant 32 : i32
    %dma_start3A_50 = arith.constant 0 : i32
    %dma_start3A_51 = tpu.memref_slice %arg10[%dma_start3A_49, %dma_start3A_50] : memref<128x128xf32, #tpu.memory_space<vmem>> -> memref<32x128xf32, #tpu.memory_space<vmem>>
    %dma_start3A_52 = arith.constant 32 : i32
    %dma_start3A_53 = tpu.memref_slice %arg8[%dma_start3A_52] : memref<128xi32, #tpu.memory_space<vmem>> -> memref<32xi32, #tpu.memory_space<vmem>>
    %dma_start3A_54 = arith.constant 0 : i32
    %dma_start3A_55 = arith.constant 0 : i32
    %dma_start3A_56 = tpu.memref_slice %arg4[%dma_start3A_54, %dma_start3A_55] : memref<100000x128xf32, #tpu.memory_space<hbm>> -> memref<100000x128xf32, #tpu.memory_space<hbm>>
    tpu.enqueue_indirect_dma source(%dma_start3A_56 : memref<100000x128xf32, #tpu.memory_space<hbm>>) target(%dma_start3A_51 : memref<32x128xf32, #tpu.memory_space<vmem>>) offsets(%dma_start3A_53 : memref<32xi32, #tpu.memory_space<vmem>>) semaphore(%arg18 : memref<!tpu.dma_semaphore, #tpu.memory_space<semaphore_mem>>)
    %dma_start3A_57 = arith.constant 64 : i32
    %dma_start3A_58 = arith.constant 0 : i32
    %dma_start3A_59 = tpu.memref_slice %arg10[%dma_start3A_57, %dma_start3A_58] : memref<128x128xf32, #tpu.memory_space<vmem>> -> memref<32x128xf32, #tpu.memory_space<vmem>>
    %dma_start3A_60 = arith.constant 64 : i32
    %dma_start3A_61 = tpu.memref_slice %arg8[%dma_start3A_60] : memref<128xi32, #tpu.memory_space<vmem>> -> memref<32xi32, #tpu.memory_space<vmem>>
    %dma_start3A_62 = arith.constant 0 : i32
    %dma_start3A_63 = arith.constant 0 : i32
    %dma_start3A_64 = tpu.memref_slice %arg4[%dma_start3A_62, %dma_start3A_63] : memref<100000x128xf32, #tpu.memory_space<hbm>> -> memref<100000x128xf32, #tpu.memory_space<hbm>>
    tpu.enqueue_indirect_dma source(%dma_start3A_64 : memref<100000x128xf32, #tpu.memory_space<hbm>>) target(%dma_start3A_59 : memref<32x128xf32, #tpu.memory_space<vmem>>) offsets(%dma_start3A_61 : memref<32xi32, #tpu.memory_space<vmem>>) semaphore(%arg20 : memref<!tpu.dma_semaphore, #tpu.memory_space<semaphore_mem>>)
    %dma_start3A_65 = arith.constant 96 : i32
    %dma_start3A_66 = arith.constant 0 : i32
    %dma_start3A_67 = tpu.memref_slice %arg10[%dma_start3A_65, %dma_start3A_66] : memref<128x128xf32, #tpu.memory_space<vmem>> -> memref<32x128xf32, #tpu.memory_space<vmem>>
    %dma_start3A_68 = arith.constant 96 : i32
    %dma_start3A_69 = tpu.memref_slice %arg8[%dma_start3A_68] : memref<128xi32, #tpu.memory_space<vmem>> -> memref<32xi32, #tpu.memory_space<vmem>>
    %dma_start3A_70 = arith.constant 0 : i32
    %dma_start3A_71 = arith.constant 0 : i32
    %dma_start3A_72 = tpu.memref_slice %arg4[%dma_start3A_70, %dma_start3A_71] : memref<100000x128xf32, #tpu.memory_space<hbm>> -> memref<100000x128xf32, #tpu.memory_space<hbm>>
    tpu.enqueue_indirect_dma source(%dma_start3A_72 : memref<100000x128xf32, #tpu.memory_space<hbm>>) target(%dma_start3A_67 : memref<32x128xf32, #tpu.memory_space<vmem>>) offsets(%dma_start3A_69 : memref<32xi32, #tpu.memory_space<vmem>>) semaphore(%arg22 : memref<!tpu.dma_semaphore, #tpu.memory_space<semaphore_mem>>)
    %iota3A = tpu.iota {dimensions = array<i32: 0>} : vector<16xi32>
    %dma_wait3A_73 = arith.constant 0 : i32
    %dma_wait3A_74 = arith.constant 0 : i32
    %dma_wait3A_75 = tpu.memref_slice %arg9[%dma_wait3A_73, %dma_wait3A_74] : memref<128x128xf32, #tpu.memory_space<vmem>> -> memref<32x128xf32, #tpu.memory_space<vmem>>
    %dma_wait3A_76 = arith.constant 0 : i32
    %dma_wait3A_77 = tpu.memref_slice %arg7[%dma_wait3A_76] : memref<128xi32, #tpu.memory_space<vmem>> -> memref<32xi32, #tpu.memory_space<vmem>>
    %dma_wait3A_78 = arith.constant 0 : i32
    %dma_wait3A_79 = arith.constant 0 : i32
    %dma_wait3A_80 = tpu.memref_slice %arg2[%dma_wait3A_78, %dma_wait3A_79] : memref<100000x128xf32, #tpu.memory_space<hbm>> -> memref<100000x128xf32, #tpu.memory_space<hbm>>
    tpu.wait_indirect_dma semaphore(%arg15 : memref<!tpu.dma_semaphore, #tpu.memory_space<semaphore_mem>>) src(%dma_wait3A_80 : memref<100000x128xf32, #tpu.memory_space<hbm>>) dst(%dma_wait3A_75 : memref<32x128xf32, #tpu.memory_space<vmem>>)
    %dma_wait3A_81 = arith.constant 0 : i32
    %dma_wait3A_82 = arith.constant 0 : i32
    %dma_wait3A_83 = tpu.memref_slice %arg10[%dma_wait3A_81, %dma_wait3A_82] : memref<128x128xf32, #tpu.memory_space<vmem>> -> memref<32x128xf32, #tpu.memory_space<vmem>>
    %dma_wait3A_84 = arith.constant 0 : i32
    %dma_wait3A_85 = tpu.memref_slice %arg8[%dma_wait3A_84] : memref<128xi32, #tpu.memory_space<vmem>> -> memref<32xi32, #tpu.memory_space<vmem>>
    %dma_wait3A_86 = arith.constant 0 : i32
    %dma_wait3A_87 = arith.constant 0 : i32
    %dma_wait3A_88 = tpu.memref_slice %arg4[%dma_wait3A_86, %dma_wait3A_87] : memref<100000x128xf32, #tpu.memory_space<hbm>> -> memref<100000x128xf32, #tpu.memory_space<hbm>>
    tpu.wait_indirect_dma semaphore(%arg16 : memref<!tpu.dma_semaphore, #tpu.memory_space<semaphore_mem>>) src(%dma_wait3A_88 : memref<100000x128xf32, #tpu.memory_space<hbm>>) dst(%dma_wait3A_83 : memref<32x128xf32, #tpu.memory_space<vmem>>)
    %parallel_loop3A = arith.constant 0 : i32
    %parallel_loop3A_89 = arith.constant 32 : i32
    %parallel_loop3A_90 = arith.constant 1 : i32
    scf.for %parallel_loop3A_160 = %parallel_loop3A to %parallel_loop3A_89 step %parallel_loop3A_90  : i32 {
      %parallel_loop3A_161 = arith.index_cast %parallel_loop3A_160 : i32 to index
      %parallel_loop3A_162 = arith.constant 0 : index
      %parallel_loop3A_163 = tpu.vector_load %arg9[%parallel_loop3A_161, %parallel_loop3A_162] {strides = array<i32>} : memref<128x128xf32, #tpu.memory_space<vmem>>, vector<16xf32>,
      %parallel_loop3A_164 = arith.index_cast %parallel_loop3A_160 : i32 to index
      %parallel_loop3A_165 = arith.constant 0 : index
      %parallel_loop3A_166 = tpu.vector_load %arg10[%parallel_loop3A_164, %parallel_loop3A_165] {strides = array<i32>} : memref<128x128xf32, #tpu.memory_space<vmem>>, vector<16xf32>,
      %parallel_loop3A_167 = arith.mulf %parallel_loop3A_163, %parallel_loop3A_166 : vector<16xf32>
      %parallel_loop3A_168 = arith.index_cast %parallel_loop3A_160 : i32 to index
      %parallel_loop3A_169 = arith.constant 16 : index
      %parallel_loop3A_170 = tpu.vector_load %arg9[%parallel_loop3A_168, %parallel_loop3A_169] {strides = array<i32>} : memref<128x128xf32, #tpu.memory_space<vmem>>, vector<16xf32>,
      %parallel_loop3A_171 = arith.index_cast %parallel_loop3A_160 : i32 to index
      %parallel_loop3A_172 = arith.constant 16 : index
      %parallel_loop3A_173 = tpu.vector_load %arg10[%parallel_loop3A_171, %parallel_loop3A_172] {strides = array<i32>} : memref<128x128xf32, #tpu.memory_space<vmem>>, vector<16xf32>,
      %parallel_loop3A_174 = arith.mulf %parallel_loop3A_170, %parallel_loop3A_173 : vector<16xf32>
      %parallel_loop3A_175 = arith.addf %parallel_loop3A_167, %parallel_loop3A_174 : vector<16xf32>
      %parallel_loop3A_176 = arith.index_cast %parallel_loop3A_160 : i32 to index
      %parallel_loop3A_177 = arith.constant 32 : index
      %parallel_loop3A_178 = tpu.vector_load %arg9[%parallel_loop3A_176, %parallel_loop3A_177] {strides = array<i32>} : memref<128x128xf32, #tpu.memory_space<vmem>>, vector<16xf32>,
      %parallel_loop3A_179 = arith.index_cast %parallel_loop3A_160 : i32 to index
      %parallel_loop3A_180 = arith.constant 32 : index
      %parallel_loop3A_181 = tpu.vector_load %arg10[%parallel_loop3A_179, %parallel_loop3A_180] {strides = array<i32>} : memref<128x128xf32, #tpu.memory_space<vmem>>, vector<16xf32>,
      %parallel_loop3A_182 = arith.mulf %parallel_loop3A_178, %parallel_loop3A_181 : vector<16xf32>
      %parallel_loop3A_183 = arith.addf %parallel_loop3A_175, %parallel_loop3A_182 : vector<16xf32>
      %parallel_loop3A_184 = arith.index_cast %parallel_loop3A_160 : i32 to index
      %parallel_loop3A_185 = arith.constant 48 : index
      %parallel_loop3A_186 = tpu.vector_load %arg9[%parallel_loop3A_184, %parallel_loop3A_185] {strides = array<i32>} : memref<128x128xf32, #tpu.memory_space<vmem>>, vector<16xf32>,
      %parallel_loop3A_187 = arith.index_cast %parallel_loop3A_160 : i32 to index
      %parallel_loop3A_188 = arith.constant 48 : index
      %parallel_loop3A_189 = tpu.vector_load %arg10[%parallel_loop3A_187, %parallel_loop3A_188] {strides = array<i32>} : memref<128x128xf32, #tpu.memory_space<vmem>>, vector<16xf32>,
      %parallel_loop3A_190 = arith.mulf %parallel_loop3A_186, %parallel_loop3A_189 : vector<16xf32>
      %parallel_loop3A_191 = arith.addf %parallel_loop3A_183, %parallel_loop3A_190 : vector<16xf32>
      %parallel_loop3A_192 = arith.index_cast %parallel_loop3A_160 : i32 to index
      %parallel_loop3A_193 = arith.constant 64 : index
      %parallel_loop3A_194 = tpu.vector_load %arg9[%parallel_loop3A_192, %parallel_loop3A_193] {strides = array<i32>} : memref<128x128xf32, #tpu.memory_space<vmem>>, vector<16xf32>,
      %parallel_loop3A_195 = arith.index_cast %parallel_loop3A_160 : i32 to index
      %parallel_loop3A_196 = arith.constant 64 : index
      %parallel_loop3A_197 = tpu.vector_load %arg10[%parallel_loop3A_195, %parallel_loop3A_196] {strides = array<i32>} : memref<128x128xf32, #tpu.memory_space<vmem>>, vector<16xf32>,
      %parallel_loop3A_198 = arith.mulf %parallel_loop3A_194, %parallel_loop3A_197 : vector<16xf32>
      %parallel_loop3A_199 = arith.addf %parallel_loop3A_191, %parallel_loop3A_198 : vector<16xf32>
      %parallel_loop3A_200 = arith.index_cast %parallel_loop3A_160 : i32 to index
      %parallel_loop3A_201 = arith.constant 80 : index
      %parallel_loop3A_202 = tpu.vector_load %arg9[%parallel_loop3A_200, %parallel_loop3A_201] {strides = array<i32>} : memref<128x128xf32, #tpu.memory_space<vmem>>, vector<16xf32>,
      %parallel_loop3A_203 = arith.index_cast %parallel_loop3A_160 : i32 to index
      %parallel_loop3A_204 = arith.constant 80 : index
      %parallel_loop3A_205 = tpu.vector_load %arg10[%parallel_loop3A_203, %parallel_loop3A_204] {strides = array<i32>} : memref<128x128xf32, #tpu.memory_space<vmem>>, vector<16xf32>,
      %parallel_loop3A_206 = arith.mulf %parallel_loop3A_202, %parallel_loop3A_205 : vector<16xf32>
      %parallel_loop3A_207 = arith.addf %parallel_loop3A_199, %parallel_loop3A_206 : vector<16xf32>
      %parallel_loop3A_208 = arith.index_cast %parallel_loop3A_160 : i32 to index
      %parallel_loop3A_209 = arith.constant 96 : index
      %parallel_loop3A_210 = tpu.vector_load %arg9[%parallel_loop3A_208, %parallel_loop3A_209] {strides = array<i32>} : memref<128x128xf32, #tpu.memory_space<vmem>>, vector<16xf32>,
      %parallel_loop3A_211 = arith.index_cast %parallel_loop3A_160 : i32 to index
      %parallel_loop3A_212 = arith.constant 96 : index
      %parallel_loop3A_213 = tpu.vector_load %arg10[%parallel_loop3A_211, %parallel_loop3A_212] {strides = array<i32>} : memref<128x128xf32, #tpu.memory_space<vmem>>, vector<16xf32>,
      %parallel_loop3A_214 = arith.mulf %parallel_loop3A_210, %parallel_loop3A_213 : vector<16xf32>
      %parallel_loop3A_215 = arith.addf %parallel_loop3A_207, %parallel_loop3A_214 : vector<16xf32>
      %parallel_loop3A_216 = arith.index_cast %parallel_loop3A_160 : i32 to index
      %parallel_loop3A_217 = arith.constant 112 : index
      %parallel_loop3A_218 = tpu.vector_load %arg9[%parallel_loop3A_216, %parallel_loop3A_217] {strides = array<i32>} : memref<128x128xf32, #tpu.memory_space<vmem>>, vector<16xf32>,
      %parallel_loop3A_219 = arith.index_cast %parallel_loop3A_160 : i32 to index
      %parallel_loop3A_220 = arith.constant 112 : index
      %parallel_loop3A_221 = tpu.vector_load %arg10[%parallel_loop3A_219, %parallel_loop3A_220] {strides = array<i32>} : memref<128x128xf32, #tpu.memory_space<vmem>>, vector<16xf32>,
      %parallel_loop3A_222 = arith.mulf %parallel_loop3A_218, %parallel_loop3A_221 : vector<16xf32>
      %parallel_loop3A_223 = arith.addf %parallel_loop3A_215, %parallel_loop3A_222 : vector<16xf32>
      %parallel_loop3A_224 = arith.constant 17 : i32
      %parallel_loop3A_225 = arith.muli %parallel_loop3A_160, %parallel_loop3A_224 : i32
      %parallel_loop3A_226 = arith.index_cast %parallel_loop3A_225 : i32 to index
      %parallel_loop3A_227 = tpu.vector_load %arg11[%parallel_loop3A_226] {strides = array<i32>} : memref<2176xf32, #tpu.memory_space<vmem>>, vector<16xf32>,
      tpu.vector_store %arg11[%parallel_loop3A_226], %parallel_loop3A_223 {strides = array<i32>} : memref<2176xf32, #tpu.memory_space<vmem>>, vector<16xf32>,
    } {sc.loop_unroll_factor = 1 : i64, sc.parallel_access}
    %parallel_loop3A_91 = arith.constant 0 : i32
    %parallel_loop3A_92 = arith.constant 2 : i32
    %parallel_loop3A_93 = arith.constant 1 : i32
    scf.for %parallel_loop3A_160 = %parallel_loop3A_91 to %parallel_loop3A_92 step %parallel_loop3A_93  : i32 {
      %parallel_loop3A_161 = arith.constant 16 : i32
      %parallel_loop3A_162 = arith.muli %parallel_loop3A_160, %parallel_loop3A_161 : i32
      %parallel_loop3A_163 = vector.broadcast %parallel_loop3A_162 : i32 to vector<16xi32>
      %parallel_loop3A_164 = arith.addi %parallel_loop3A_163, %iota3A : vector<16xi32>
      %parallel_loop3A_165 = arith.constant 17 : i32
      %parallel_loop3A_166 = vector.broadcast %parallel_loop3A_165 : i32 to vector<16xi32>
      %parallel_loop3A_167 = arith.muli %parallel_loop3A_164, %parallel_loop3A_166 : vector<16xi32>
      %parallel_loop3A_168 = tpu.vector_load_idx %arg11[%parallel_loop3A_167] : memref<2176xf32, #tpu.memory_space<vmem>>[vector<16xi32>], vector<16xf32>,
      %parallel_loop3A_169 = arith.constant 1 : i32
      %parallel_loop3A_170 = vector.broadcast %parallel_loop3A_169 : i32 to vector<16xi32>
      %parallel_loop3A_171 = arith.addi %parallel_loop3A_167, %parallel_loop3A_170 : vector<16xi32>
      %parallel_loop3A_172 = tpu.vector_load_idx %arg11[%parallel_loop3A_171] : memref<2176xf32, #tpu.memory_space<vmem>>[vector<16xi32>], vector<16xf32>,
      %parallel_loop3A_173 = arith.addf %parallel_loop3A_168, %parallel_loop3A_172 : vector<16xf32>
      %parallel_loop3A_174 = arith.constant 2 : i32
      %parallel_loop3A_175 = vector.broadcast %parallel_loop3A_174 : i32 to vector<16xi32>
      %parallel_loop3A_176 = arith.addi %parallel_loop3A_167, %parallel_loop3A_175 : vector<16xi32>
      %parallel_loop3A_177 = tpu.vector_load_idx %arg11[%parallel_loop3A_176] : memref<2176xf32, #tpu.memory_space<vmem>>[vector<16xi32>], vector<16xf32>,
      %parallel_loop3A_178 = arith.addf %parallel_loop3A_173, %parallel_loop3A_177 : vector<16xf32>
      %parallel_loop3A_179 = arith.constant 3 : i32
      %parallel_loop3A_180 = vector.broadcast %parallel_loop3A_179 : i32 to vector<16xi32>
      %parallel_loop3A_181 = arith.addi %parallel_loop3A_167, %parallel_loop3A_180 : vector<16xi32>
      %parallel_loop3A_182 = tpu.vector_load_idx %arg11[%parallel_loop3A_181] : memref<2176xf32, #tpu.memory_space<vmem>>[vector<16xi32>], vector<16xf32>,
      %parallel_loop3A_183 = arith.addf %parallel_loop3A_178, %parallel_loop3A_182 : vector<16xf32>
      %parallel_loop3A_184 = arith.constant 4 : i32
      %parallel_loop3A_185 = vector.broadcast %parallel_loop3A_184 : i32 to vector<16xi32>
      %parallel_loop3A_186 = arith.addi %parallel_loop3A_167, %parallel_loop3A_185 : vector<16xi32>
      %parallel_loop3A_187 = tpu.vector_load_idx %arg11[%parallel_loop3A_186] : memref<2176xf32, #tpu.memory_space<vmem>>[vector<16xi32>], vector<16xf32>,
      %parallel_loop3A_188 = arith.addf %parallel_loop3A_183, %parallel_loop3A_187 : vector<16xf32>
      %parallel_loop3A_189 = arith.constant 5 : i32
      %parallel_loop3A_190 = vector.broadcast %parallel_loop3A_189 : i32 to vector<16xi32>
      %parallel_loop3A_191 = arith.addi %parallel_loop3A_167, %parallel_loop3A_190 : vector<16xi32>
      %parallel_loop3A_192 = tpu.vector_load_idx %arg11[%parallel_loop3A_191] : memref<2176xf32, #tpu.memory_space<vmem>>[vector<16xi32>], vector<16xf32>,
      %parallel_loop3A_193 = arith.addf %parallel_loop3A_188, %parallel_loop3A_192 : vector<16xf32>
      %parallel_loop3A_194 = arith.constant 6 : i32
      %parallel_loop3A_195 = vector.broadcast %parallel_loop3A_194 : i32 to vector<16xi32>
      %parallel_loop3A_196 = arith.addi %parallel_loop3A_167, %parallel_loop3A_195 : vector<16xi32>
      %parallel_loop3A_197 = tpu.vector_load_idx %arg11[%parallel_loop3A_196] : memref<2176xf32, #tpu.memory_space<vmem>>[vector<16xi32>], vector<16xf32>,
      %parallel_loop3A_198 = arith.addf %parallel_loop3A_193, %parallel_loop3A_197 : vector<16xf32>
      %parallel_loop3A_199 = arith.constant 7 : i32
      %parallel_loop3A_200 = vector.broadcast %parallel_loop3A_199 : i32 to vector<16xi32>
      %parallel_loop3A_201 = arith.addi %parallel_loop3A_167, %parallel_loop3A_200 : vector<16xi32>
      %parallel_loop3A_202 = tpu.vector_load_idx %arg11[%parallel_loop3A_201] : memref<2176xf32, #tpu.memory_space<vmem>>[vector<16xi32>], vector<16xf32>,
      %parallel_loop3A_203 = arith.addf %parallel_loop3A_198, %parallel_loop3A_202 : vector<16xf32>
      %parallel_loop3A_204 = arith.constant 8 : i32
      %parallel_loop3A_205 = vector.broadcast %parallel_loop3A_204 : i32 to vector<16xi32>
      %parallel_loop3A_206 = arith.addi %parallel_loop3A_167, %parallel_loop3A_205 : vector<16xi32>
      %parallel_loop3A_207 = tpu.vector_load_idx %arg11[%parallel_loop3A_206] : memref<2176xf32, #tpu.memory_space<vmem>>[vector<16xi32>], vector<16xf32>,
      %parallel_loop3A_208 = arith.addf %parallel_loop3A_203, %parallel_loop3A_207 : vector<16xf32>
      %parallel_loop3A_209 = arith.constant 9 : i32
      %parallel_loop3A_210 = vector.broadcast %parallel_loop3A_209 : i32 to vector<16xi32>
      %parallel_loop3A_211 = arith.addi %parallel_loop3A_167, %parallel_loop3A_210 : vector<16xi32>
      %parallel_loop3A_212 = tpu.vector_load_idx %arg11[%parallel_loop3A_211] : memref<2176xf32, #tpu.memory_space<vmem>>[vector<16xi32>], vector<16xf32>,
      %parallel_loop3A_213 = arith.addf %parallel_loop3A_208, %parallel_loop3A_212 : vector<16xf32>
      %parallel_loop3A_214 = arith.constant 10 : i32
      %parallel_loop3A_215 = vector.broadcast %parallel_loop3A_214 : i32 to vector<16xi32>
      %parallel_loop3A_216 = arith.addi %parallel_loop3A_167, %parallel_loop3A_215 : vector<16xi32>
      %parallel_loop3A_217 = tpu.vector_load_idx %arg11[%parallel_loop3A_216] : memref<2176xf32, #tpu.memory_space<vmem>>[vector<16xi32>], vector<16xf32>,
      %parallel_loop3A_218 = arith.addf %parallel_loop3A_213, %parallel_loop3A_217 : vector<16xf32>
      %parallel_loop3A_219 = arith.constant 11 : i32
      %parallel_loop3A_220 = vector.broadcast %parallel_loop3A_219 : i32 to vector<16xi32>
      %parallel_loop3A_221 = arith.addi %parallel_loop3A_167, %parallel_loop3A_220 : vector<16xi32>
      %parallel_loop3A_222 = tpu.vector_load_idx %arg11[%parallel_loop3A_221] : memref<2176xf32, #tpu.memory_space<vmem>>[vector<16xi32>], vector<16xf32>,
      %parallel_loop3A_223 = arith.addf %parallel_loop3A_218, %parallel_loop3A_222 : vector<16xf32>
      %parallel_loop3A_224 = arith.constant 12 : i32
      %parallel_loop3A_225 = vector.broadcast %parallel_loop3A_224 : i32 to vector<16xi32>
      %parallel_loop3A_226 = arith.addi %parallel_loop3A_167, %parallel_loop3A_225 : vector<16xi32>
      %parallel_loop3A_227 = tpu.vector_load_idx %arg11[%parallel_loop3A_226] : memref<2176xf32, #tpu.memory_space<vmem>>[vector<16xi32>], vector<16xf32>,
      %parallel_loop3A_228 = arith.addf %parallel_loop3A_223, %parallel_loop3A_227 : vector<16xf32>
      %parallel_loop3A_229 = arith.constant 13 : i32
      %parallel_loop3A_230 = vector.broadcast %parallel_loop3A_229 : i32 to vector<16xi32>
      %parallel_loop3A_231 = arith.addi %parallel_loop3A_167, %parallel_loop3A_230 : vector<16xi32>
      %parallel_loop3A_232 = tpu.vector_load_idx %arg11[%parallel_loop3A_231] : memref<2176xf32, #tpu.memory_space<vmem>>[vector<16xi32>], vector<16xf32>,
      %parallel_loop3A_233 = arith.addf %parallel_loop3A_228, %parallel_loop3A_232 : vector<16xf32>
      %parallel_loop3A_234 = arith.constant 14 : i32
      %parallel_loop3A_235 = vector.broadcast %parallel_loop3A_234 : i32 to vector<16xi32>
      %parallel_loop3A_236 = arith.addi %parallel_loop3A_167, %parallel_loop3A_235 : vector<16xi32>
      %parallel_loop3A_237 = tpu.vector_load_idx %arg11[%parallel_loop3A_236] : memref<2176xf32, #tpu.memory_space<vmem>>[vector<16xi32>], vector<16xf32>,
      %parallel_loop3A_238 = arith.addf %parallel_loop3A_233, %parallel_loop3A_237 : vector<16xf32>
      %parallel_loop3A_239 = arith.constant 15 : i32
      %parallel_loop3A_240 = vector.broadcast %parallel_loop3A_239 : i32 to vector<16xi32>
      %parallel_loop3A_241 = arith.addi %parallel_loop3A_167, %parallel_loop3A_240 : vector<16xi32>
      %parallel_loop3A_242 = tpu.vector_load_idx %arg11[%parallel_loop3A_241] : memref<2176xf32, #tpu.memory_space<vmem>>[vector<16xi32>], vector<16xf32>,
      %parallel_loop3A_243 = arith.addf %parallel_loop3A_238, %parallel_loop3A_242 : vector<16xf32>
      %parallel_loop3A_244 = arith.constant 16 : i32
      %parallel_loop3A_245 = arith.muli %parallel_loop3A_160, %parallel_loop3A_244 : i32
      %parallel_loop3A_246 = arith.index_cast %parallel_loop3A_245 : i32 to index
      %parallel_loop3A_247 = tpu.vector_load %arg12[%parallel_loop3A_246] {strides = array<i32>} : memref<128xf32, #tpu.memory_space<vmem>>, vector<16xf32>,
      tpu.vector_store %arg12[%parallel_loop3A_246], %parallel_loop3A_243 {strides = array<i32>} : memref<128xf32, #tpu.memory_space<vmem>>, vector<16xf32>,
    } {sc.loop_unroll_factor = 1 : i64, sc.parallel_access}
    %dma_wait3A_94 = arith.constant 32 : i32
    %dma_wait3A_95 = arith.constant 0 : i32
    %dma_wait3A_96 = tpu.memref_slice %arg9[%dma_wait3A_94, %dma_wait3A_95] : memref<128x128xf32, #tpu.memory_space<vmem>> -> memref<32x128xf32, #tpu.memory_space<vmem>>
    %dma_wait3A_97 = arith.constant 32 : i32
    %dma_wait3A_98 = tpu.memref_slice %arg7[%dma_wait3A_97] : memref<128xi32, #tpu.memory_space<vmem>> -> memref<32xi32, #tpu.memory_space<vmem>>
    %dma_wait3A_99 = arith.constant 0 : i32
    %dma_wait3A_100 = arith.constant 0 : i32
    %dma_wait3A_101 = tpu.memref_slice %arg2[%dma_wait3A_99, %dma_wait3A_100] : memref<100000x128xf32, #tpu.memory_space<hbm>> -> memref<100000x128xf32, #tpu.memory_space<hbm>>
    tpu.wait_indirect_dma semaphore(%arg17 : memref<!tpu.dma_semaphore, #tpu.memory_space<semaphore_mem>>) src(%dma_wait3A_101 : memref<100000x128xf32, #tpu.memory_space<hbm>>) dst(%dma_wait3A_96 : memref<32x128xf32, #tpu.memory_space<vmem>>)
    %dma_wait3A_102 = arith.constant 32 : i32
    %dma_wait3A_103 = arith.constant 0 : i32
    %dma_wait3A_104 = tpu.memref_slice %arg10[%dma_wait3A_102, %dma_wait3A_103] : memref<128x128xf32, #tpu.memory_space<vmem>> -> memref<32x128xf32, #tpu.memory_space<vmem>>
    %dma_wait3A_105 = arith.constant 32 : i32
    %dma_wait3A_106 = tpu.memref_slice %arg8[%dma_wait3A_105] : memref<128xi32, #tpu.memory_space<vmem>> -> memref<32xi32, #tpu.memory_space<vmem>>
    %dma_wait3A_107 = arith.constant 0 : i32
    %dma_wait3A_108 = arith.constant 0 : i32
    %dma_wait3A_109 = tpu.memref_slice %arg4[%dma_wait3A_107, %dma_wait3A_108] : memref<100000x128xf32, #tpu.memory_space<hbm>> -> memref<100000x128xf32, #tpu.memory_space<hbm>>
    tpu.wait_indirect_dma semaphore(%arg18 : memref<!tpu.dma_semaphore, #tpu.memory_space<semaphore_mem>>) src(%dma_wait3A_109 : memref<100000x128xf32, #tpu.memory_space<hbm>>) dst(%dma_wait3A_104 : memref<32x128xf32, #tpu.memory_space<vmem>>)
    %parallel_loop3A_110 = arith.constant 32 : i32
    %parallel_loop3A_111 = arith.constant 64 : i32
    %parallel_loop3A_112 = arith.constant 1 : i32
    scf.for %parallel_loop3A_160 = %parallel_loop3A_110 to %parallel_loop3A_111 step %parallel_loop3A_112  : i32 {
      %parallel_loop3A_161 = arith.index_cast %parallel_loop3A_160 : i32 to index
      %parallel_loop3A_162 = arith.constant 0 : index
      %parallel_loop3A_163 = tpu.vector_load %arg9[%parallel_loop3A_161, %parallel_loop3A_162] {strides = array<i32>} : memref<128x128xf32, #tpu.memory_space<vmem>>, vector<16xf32>,
      %parallel_loop3A_164 = arith.index_cast %parallel_loop3A_160 : i32 to index
      %parallel_loop3A_165 = arith.constant 0 : index
      %parallel_loop3A_166 = tpu.vector_load %arg10[%parallel_loop3A_164, %parallel_loop3A_165] {strides = array<i32>} : memref<128x128xf32, #tpu.memory_space<vmem>>, vector<16xf32>,
      %parallel_loop3A_167 = arith.mulf %parallel_loop3A_163, %parallel_loop3A_166 : vector<16xf32>
      %parallel_loop3A_168 = arith.index_cast %parallel_loop3A_160 : i32 to index
      %parallel_loop3A_169 = arith.constant 16 : index
      %parallel_loop3A_170 = tpu.vector_load %arg9[%parallel_loop3A_168, %parallel_loop3A_169] {strides = array<i32>} : memref<128x128xf32, #tpu.memory_space<vmem>>, vector<16xf32>,
      %parallel_loop3A_171 = arith.index_cast %parallel_loop3A_160 : i32 to index
      %parallel_loop3A_172 = arith.constant 16 : index
      %parallel_loop3A_173 = tpu.vector_load %arg10[%parallel_loop3A_171, %parallel_loop3A_172] {strides = array<i32>} : memref<128x128xf32, #tpu.memory_space<vmem>>, vector<16xf32>,
      %parallel_loop3A_174 = arith.mulf %parallel_loop3A_170, %parallel_loop3A_173 : vector<16xf32>
      %parallel_loop3A_175 = arith.addf %parallel_loop3A_167, %parallel_loop3A_174 : vector<16xf32>
      %parallel_loop3A_176 = arith.index_cast %parallel_loop3A_160 : i32 to index
      %parallel_loop3A_177 = arith.constant 32 : index
      %parallel_loop3A_178 = tpu.vector_load %arg9[%parallel_loop3A_176, %parallel_loop3A_177] {strides = array<i32>} : memref<128x128xf32, #tpu.memory_space<vmem>>, vector<16xf32>,
      %parallel_loop3A_179 = arith.index_cast %parallel_loop3A_160 : i32 to index
      %parallel_loop3A_180 = arith.constant 32 : index
      %parallel_loop3A_181 = tpu.vector_load %arg10[%parallel_loop3A_179, %parallel_loop3A_180] {strides = array<i32>} : memref<128x128xf32, #tpu.memory_space<vmem>>, vector<16xf32>,
      %parallel_loop3A_182 = arith.mulf %parallel_loop3A_178, %parallel_loop3A_181 : vector<16xf32>
      %parallel_loop3A_183 = arith.addf %parallel_loop3A_175, %parallel_loop3A_182 : vector<16xf32>
      %parallel_loop3A_184 = arith.index_cast %parallel_loop3A_160 : i32 to index
      %parallel_loop3A_185 = arith.constant 48 : index
      %parallel_loop3A_186 = tpu.vector_load %arg9[%parallel_loop3A_184, %parallel_loop3A_185] {strides = array<i32>} : memref<128x128xf32, #tpu.memory_space<vmem>>, vector<16xf32>,
      %parallel_loop3A_187 = arith.index_cast %parallel_loop3A_160 : i32 to index
      %parallel_loop3A_188 = arith.constant 48 : index
      %parallel_loop3A_189 = tpu.vector_load %arg10[%parallel_loop3A_187, %parallel_loop3A_188] {strides = array<i32>} : memref<128x128xf32, #tpu.memory_space<vmem>>, vector<16xf32>,
      %parallel_loop3A_190 = arith.mulf %parallel_loop3A_186, %parallel_loop3A_189 : vector<16xf32>
      %parallel_loop3A_191 = arith.addf %parallel_loop3A_183, %parallel_loop3A_190 : vector<16xf32>
      %parallel_loop3A_192 = arith.index_cast %parallel_loop3A_160 : i32 to index
      %parallel_loop3A_193 = arith.constant 64 : index
      %parallel_loop3A_194 = tpu.vector_load %arg9[%parallel_loop3A_192, %parallel_loop3A_193] {strides = array<i32>} : memref<128x128xf32, #tpu.memory_space<vmem>>, vector<16xf32>,
      %parallel_loop3A_195 = arith.index_cast %parallel_loop3A_160 : i32 to index
      %parallel_loop3A_196 = arith.constant 64 : index
      %parallel_loop3A_197 = tpu.vector_load %arg10[%parallel_loop3A_195, %parallel_loop3A_196] {strides = array<i32>} : memref<128x128xf32, #tpu.memory_space<vmem>>, vector<16xf32>,
      %parallel_loop3A_198 = arith.mulf %parallel_loop3A_194, %parallel_loop3A_197 : vector<16xf32>
      %parallel_loop3A_199 = arith.addf %parallel_loop3A_191, %parallel_loop3A_198 : vector<16xf32>
      %parallel_loop3A_200 = arith.index_cast %parallel_loop3A_160 : i32 to index
      %parallel_loop3A_201 = arith.constant 80 : index
      %parallel_loop3A_202 = tpu.vector_load %arg9[%parallel_loop3A_200, %parallel_loop3A_201] {strides = array<i32>} : memref<128x128xf32, #tpu.memory_space<vmem>>, vector<16xf32>,
      %parallel_loop3A_203 = arith.index_cast %parallel_loop3A_160 : i32 to index
      %parallel_loop3A_204 = arith.constant 80 : index
      %parallel_loop3A_205 = tpu.vector_load %arg10[%parallel_loop3A_203, %parallel_loop3A_204] {strides = array<i32>} : memref<128x128xf32, #tpu.memory_space<vmem>>, vector<16xf32>,
      %parallel_loop3A_206 = arith.mulf %parallel_loop3A_202, %parallel_loop3A_205 : vector<16xf32>
      %parallel_loop3A_207 = arith.addf %parallel_loop3A_199, %parallel_loop3A_206 : vector<16xf32>
      %parallel_loop3A_208 = arith.index_cast %parallel_loop3A_160 : i32 to index
      %parallel_loop3A_209 = arith.constant 96 : index
      %parallel_loop3A_210 = tpu.vector_load %arg9[%parallel_loop3A_208, %parallel_loop3A_209] {strides = array<i32>} : memref<128x128xf32, #tpu.memory_space<vmem>>, vector<16xf32>,
      %parallel_loop3A_211 = arith.index_cast %parallel_loop3A_160 : i32 to index
      %parallel_loop3A_212 = arith.constant 96 : index
      %parallel_loop3A_213 = tpu.vector_load %arg10[%parallel_loop3A_211, %parallel_loop3A_212] {strides = array<i32>} : memref<128x128xf32, #tpu.memory_space<vmem>>, vector<16xf32>,
      %parallel_loop3A_214 = arith.mulf %parallel_loop3A_210, %parallel_loop3A_213 : vector<16xf32>
      %parallel_loop3A_215 = arith.addf %parallel_loop3A_207, %parallel_loop3A_214 : vector<16xf32>
      %parallel_loop3A_216 = arith.index_cast %parallel_loop3A_160 : i32 to index
      %parallel_loop3A_217 = arith.constant 112 : index
      %parallel_loop3A_218 = tpu.vector_load %arg9[%parallel_loop3A_216, %parallel_loop3A_217] {strides = array<i32>} : memref<128x128xf32, #tpu.memory_space<vmem>>, vector<16xf32>,
      %parallel_loop3A_219 = arith.index_cast %parallel_loop3A_160 : i32 to index
      %parallel_loop3A_220 = arith.constant 112 : index
      %parallel_loop3A_221 = tpu.vector_load %arg10[%parallel_loop3A_219, %parallel_loop3A_220] {strides = array<i32>} : memref<128x128xf32, #tpu.memory_space<vmem>>, vector<16xf32>,
      %parallel_loop3A_222 = arith.mulf %parallel_loop3A_218, %parallel_loop3A_221 : vector<16xf32>
      %parallel_loop3A_223 = arith.addf %parallel_loop3A_215, %parallel_loop3A_222 : vector<16xf32>
      %parallel_loop3A_224 = arith.constant 17 : i32
      %parallel_loop3A_225 = arith.muli %parallel_loop3A_160, %parallel_loop3A_224 : i32
      %parallel_loop3A_226 = arith.index_cast %parallel_loop3A_225 : i32 to index
      %parallel_loop3A_227 = tpu.vector_load %arg11[%parallel_loop3A_226] {strides = array<i32>} : memref<2176xf32, #tpu.memory_space<vmem>>, vector<16xf32>,
      tpu.vector_store %arg11[%parallel_loop3A_226], %parallel_loop3A_223 {strides = array<i32>} : memref<2176xf32, #tpu.memory_space<vmem>>, vector<16xf32>,
    } {sc.loop_unroll_factor = 1 : i64, sc.parallel_access}
    %parallel_loop3A_113 = arith.constant 2 : i32
    %parallel_loop3A_114 = arith.constant 4 : i32
    %parallel_loop3A_115 = arith.constant 1 : i32
    scf.for %parallel_loop3A_160 = %parallel_loop3A_113 to %parallel_loop3A_114 step %parallel_loop3A_115  : i32 {
      %parallel_loop3A_161 = arith.constant 16 : i32
      %parallel_loop3A_162 = arith.muli %parallel_loop3A_160, %parallel_loop3A_161 : i32
      %parallel_loop3A_163 = vector.broadcast %parallel_loop3A_162 : i32 to vector<16xi32>
      %parallel_loop3A_164 = arith.addi %parallel_loop3A_163, %iota3A : vector<16xi32>
      %parallel_loop3A_165 = arith.constant 17 : i32
      %parallel_loop3A_166 = vector.broadcast %parallel_loop3A_165 : i32 to vector<16xi32>
      %parallel_loop3A_167 = arith.muli %parallel_loop3A_164, %parallel_loop3A_166 : vector<16xi32>
      %parallel_loop3A_168 = tpu.vector_load_idx %arg11[%parallel_loop3A_167] : memref<2176xf32, #tpu.memory_space<vmem>>[vector<16xi32>], vector<16xf32>,
      %parallel_loop3A_169 = arith.constant 1 : i32
      %parallel_loop3A_170 = vector.broadcast %parallel_loop3A_169 : i32 to vector<16xi32>
      %parallel_loop3A_171 = arith.addi %parallel_loop3A_167, %parallel_loop3A_170 : vector<16xi32>
      %parallel_loop3A_172 = tpu.vector_load_idx %arg11[%parallel_loop3A_171] : memref<2176xf32, #tpu.memory_space<vmem>>[vector<16xi32>], vector<16xf32>,
      %parallel_loop3A_173 = arith.addf %parallel_loop3A_168, %parallel_loop3A_172 : vector<16xf32>
      %parallel_loop3A_174 = arith.constant 2 : i32
      %parallel_loop3A_175 = vector.broadcast %parallel_loop3A_174 : i32 to vector<16xi32>
      %parallel_loop3A_176 = arith.addi %parallel_loop3A_167, %parallel_loop3A_175 : vector<16xi32>
      %parallel_loop3A_177 = tpu.vector_load_idx %arg11[%parallel_loop3A_176] : memref<2176xf32, #tpu.memory_space<vmem>>[vector<16xi32>], vector<16xf32>,
      %parallel_loop3A_178 = arith.addf %parallel_loop3A_173, %parallel_loop3A_177 : vector<16xf32>
      %parallel_loop3A_179 = arith.constant 3 : i32
      %parallel_loop3A_180 = vector.broadcast %parallel_loop3A_179 : i32 to vector<16xi32>
      %parallel_loop3A_181 = arith.addi %parallel_loop3A_167, %parallel_loop3A_180 : vector<16xi32>
      %parallel_loop3A_182 = tpu.vector_load_idx %arg11[%parallel_loop3A_181] : memref<2176xf32, #tpu.memory_space<vmem>>[vector<16xi32>], vector<16xf32>,
      %parallel_loop3A_183 = arith.addf %parallel_loop3A_178, %parallel_loop3A_182 : vector<16xf32>
      %parallel_loop3A_184 = arith.constant 4 : i32
      %parallel_loop3A_185 = vector.broadcast %parallel_loop3A_184 : i32 to vector<16xi32>
      %parallel_loop3A_186 = arith.addi %parallel_loop3A_167, %parallel_loop3A_185 : vector<16xi32>
      %parallel_loop3A_187 = tpu.vector_load_idx %arg11[%parallel_loop3A_186] : memref<2176xf32, #tpu.memory_space<vmem>>[vector<16xi32>], vector<16xf32>,
      %parallel_loop3A_188 = arith.addf %parallel_loop3A_183, %parallel_loop3A_187 : vector<16xf32>
      %parallel_loop3A_189 = arith.constant 5 : i32
      %parallel_loop3A_190 = vector.broadcast %parallel_loop3A_189 : i32 to vector<16xi32>
      %parallel_loop3A_191 = arith.addi %parallel_loop3A_167, %parallel_loop3A_190 : vector<16xi32>
      %parallel_loop3A_192 = tpu.vector_load_idx %arg11[%parallel_loop3A_191] : memref<2176xf32, #tpu.memory_space<vmem>>[vector<16xi32>], vector<16xf32>,
      %parallel_loop3A_193 = arith.addf %parallel_loop3A_188, %parallel_loop3A_192 : vector<16xf32>
      %parallel_loop3A_194 = arith.constant 6 : i32
      %parallel_loop3A_195 = vector.broadcast %parallel_loop3A_194 : i32 to vector<16xi32>
      %parallel_loop3A_196 = arith.addi %parallel_loop3A_167, %parallel_loop3A_195 : vector<16xi32>
      %parallel_loop3A_197 = tpu.vector_load_idx %arg11[%parallel_loop3A_196] : memref<2176xf32, #tpu.memory_space<vmem>>[vector<16xi32>], vector<16xf32>,
      %parallel_loop3A_198 = arith.addf %parallel_loop3A_193, %parallel_loop3A_197 : vector<16xf32>
      %parallel_loop3A_199 = arith.constant 7 : i32
      %parallel_loop3A_200 = vector.broadcast %parallel_loop3A_199 : i32 to vector<16xi32>
      %parallel_loop3A_201 = arith.addi %parallel_loop3A_167, %parallel_loop3A_200 : vector<16xi32>
      %parallel_loop3A_202 = tpu.vector_load_idx %arg11[%parallel_loop3A_201] : memref<2176xf32, #tpu.memory_space<vmem>>[vector<16xi32>], vector<16xf32>,
      %parallel_loop3A_203 = arith.addf %parallel_loop3A_198, %parallel_loop3A_202 : vector<16xf32>
      %parallel_loop3A_204 = arith.constant 8 : i32
      %parallel_loop3A_205 = vector.broadcast %parallel_loop3A_204 : i32 to vector<16xi32>
      %parallel_loop3A_206 = arith.addi %parallel_loop3A_167, %parallel_loop3A_205 : vector<16xi32>
      %parallel_loop3A_207 = tpu.vector_load_idx %arg11[%parallel_loop3A_206] : memref<2176xf32, #tpu.memory_space<vmem>>[vector<16xi32>], vector<16xf32>,
      %parallel_loop3A_208 = arith.addf %parallel_loop3A_203, %parallel_loop3A_207 : vector<16xf32>
      %parallel_loop3A_209 = arith.constant 9 : i32
      %parallel_loop3A_210 = vector.broadcast %parallel_loop3A_209 : i32 to vector<16xi32>
      %parallel_loop3A_211 = arith.addi %parallel_loop3A_167, %parallel_loop3A_210 : vector<16xi32>
      %parallel_loop3A_212 = tpu.vector_load_idx %arg11[%parallel_loop3A_211] : memref<2176xf32, #tpu.memory_space<vmem>>[vector<16xi32>], vector<16xf32>,
      %parallel_loop3A_213 = arith.addf %parallel_loop3A_208, %parallel_loop3A_212 : vector<16xf32>
      %parallel_loop3A_214 = arith.constant 10 : i32
      %parallel_loop3A_215 = vector.broadcast %parallel_loop3A_214 : i32 to vector<16xi32>
      %parallel_loop3A_216 = arith.addi %parallel_loop3A_167, %parallel_loop3A_215 : vector<16xi32>
      %parallel_loop3A_217 = tpu.vector_load_idx %arg11[%parallel_loop3A_216] : memref<2176xf32, #tpu.memory_space<vmem>>[vector<16xi32>], vector<16xf32>,
      %parallel_loop3A_218 = arith.addf %parallel_loop3A_213, %parallel_loop3A_217 : vector<16xf32>
      %parallel_loop3A_219 = arith.constant 11 : i32
      %parallel_loop3A_220 = vector.broadcast %parallel_loop3A_219 : i32 to vector<16xi32>
      %parallel_loop3A_221 = arith.addi %parallel_loop3A_167, %parallel_loop3A_220 : vector<16xi32>
      %parallel_loop3A_222 = tpu.vector_load_idx %arg11[%parallel_loop3A_221] : memref<2176xf32, #tpu.memory_space<vmem>>[vector<16xi32>], vector<16xf32>,
      %parallel_loop3A_223 = arith.addf %parallel_loop3A_218, %parallel_loop3A_222 : vector<16xf32>
      %parallel_loop3A_224 = arith.constant 12 : i32
      %parallel_loop3A_225 = vector.broadcast %parallel_loop3A_224 : i32 to vector<16xi32>
      %parallel_loop3A_226 = arith.addi %parallel_loop3A_167, %parallel_loop3A_225 : vector<16xi32>
      %parallel_loop3A_227 = tpu.vector_load_idx %arg11[%parallel_loop3A_226] : memref<2176xf32, #tpu.memory_space<vmem>>[vector<16xi32>], vector<16xf32>,
      %parallel_loop3A_228 = arith.addf %parallel_loop3A_223, %parallel_loop3A_227 : vector<16xf32>
      %parallel_loop3A_229 = arith.constant 13 : i32
      %parallel_loop3A_230 = vector.broadcast %parallel_loop3A_229 : i32 to vector<16xi32>
      %parallel_loop3A_231 = arith.addi %parallel_loop3A_167, %parallel_loop3A_230 : vector<16xi32>
      %parallel_loop3A_232 = tpu.vector_load_idx %arg11[%parallel_loop3A_231] : memref<2176xf32, #tpu.memory_space<vmem>>[vector<16xi32>], vector<16xf32>,
      %parallel_loop3A_233 = arith.addf %parallel_loop3A_228, %parallel_loop3A_232 : vector<16xf32>
      %parallel_loop3A_234 = arith.constant 14 : i32
      %parallel_loop3A_235 = vector.broadcast %parallel_loop3A_234 : i32 to vector<16xi32>
      %parallel_loop3A_236 = arith.addi %parallel_loop3A_167, %parallel_loop3A_235 : vector<16xi32>
      %parallel_loop3A_237 = tpu.vector_load_idx %arg11[%parallel_loop3A_236] : memref<2176xf32, #tpu.memory_space<vmem>>[vector<16xi32>], vector<16xf32>,
      %parallel_loop3A_238 = arith.addf %parallel_loop3A_233, %parallel_loop3A_237 : vector<16xf32>
      %parallel_loop3A_239 = arith.constant 15 : i32
      %parallel_loop3A_240 = vector.broadcast %parallel_loop3A_239 : i32 to vector<16xi32>
      %parallel_loop3A_241 = arith.addi %parallel_loop3A_167, %parallel_loop3A_240 : vector<16xi32>
      %parallel_loop3A_242 = tpu.vector_load_idx %arg11[%parallel_loop3A_241] : memref<2176xf32, #tpu.memory_space<vmem>>[vector<16xi32>], vector<16xf32>,
      %parallel_loop3A_243 = arith.addf %parallel_loop3A_238, %parallel_loop3A_242 : vector<16xf32>
      %parallel_loop3A_244 = arith.constant 16 : i32
      %parallel_loop3A_245 = arith.muli %parallel_loop3A_160, %parallel_loop3A_244 : i32
      %parallel_loop3A_246 = arith.index_cast %parallel_loop3A_245 : i32 to index
      %parallel_loop3A_247 = tpu.vector_load %arg12[%parallel_loop3A_246] {strides = array<i32>} : memref<128xf32, #tpu.memory_space<vmem>>, vector<16xf32>,
      tpu.vector_store %arg12[%parallel_loop3A_246], %parallel_loop3A_243 {strides = array<i32>} : memref<128xf32, #tpu.memory_space<vmem>>, vector<16xf32>,
    } {sc.loop_unroll_factor = 1 : i64, sc.parallel_access}
    %dma_wait3A_116 = arith.constant 64 : i32
    %dma_wait3A_117 = arith.constant 0 : i32
    %dma_wait3A_118 = tpu.memref_slice %arg9[%dma_wait3A_116, %dma_wait3A_117] : memref<128x128xf32, #tpu.memory_space<vmem>> -> memref<32x128xf32, #tpu.memory_space<vmem>>
    %dma_wait3A_119 = arith.constant 64 : i32
    %dma_wait3A_120 = tpu.memref_slice %arg7[%dma_wait3A_119] : memref<128xi32, #tpu.memory_space<vmem>> -> memref<32xi32, #tpu.memory_space<vmem>>
    %dma_wait3A_121 = arith.constant 0 : i32
    %dma_wait3A_122 = arith.constant 0 : i32
    %dma_wait3A_123 = tpu.memref_slice %arg2[%dma_wait3A_121, %dma_wait3A_122] : memref<100000x128xf32, #tpu.memory_space<hbm>> -> memref<100000x128xf32, #tpu.memory_space<hbm>>
    tpu.wait_indirect_dma semaphore(%arg19 : memref<!tpu.dma_semaphore, #tpu.memory_space<semaphore_mem>>) src(%dma_wait3A_123 : memref<100000x128xf32, #tpu.memory_space<hbm>>) dst(%dma_wait3A_118 : memref<32x128xf32, #tpu.memory_space<vmem>>)
    %dma_wait3A_124 = arith.constant 64 : i32
    %dma_wait3A_125 = arith.constant 0 : i32
    %dma_wait3A_126 = tpu.memref_slice %arg10[%dma_wait3A_124, %dma_wait3A_125] : memref<128x128xf32, #tpu.memory_space<vmem>> -> memref<32x128xf32, #tpu.memory_space<vmem>>
    %dma_wait3A_127 = arith.constant 64 : i32
    %dma_wait3A_128 = tpu.memref_slice %arg8[%dma_wait3A_127] : memref<128xi32, #tpu.memory_space<vmem>> -> memref<32xi32, #tpu.memory_space<vmem>>
    %dma_wait3A_129 = arith.constant 0 : i32
    %dma_wait3A_130 = arith.constant 0 : i32
    %dma_wait3A_131 = tpu.memref_slice %arg4[%dma_wait3A_129, %dma_wait3A_130] : memref<100000x128xf32, #tpu.memory_space<hbm>> -> memref<100000x128xf32, #tpu.memory_space<hbm>>
    tpu.wait_indirect_dma semaphore(%arg20 : memref<!tpu.dma_semaphore, #tpu.memory_space<semaphore_mem>>) src(%dma_wait3A_131 : memref<100000x128xf32, #tpu.memory_space<hbm>>) dst(%dma_wait3A_126 : memref<32x128xf32, #tpu.memory_space<vmem>>)
    %parallel_loop3A_132 = arith.constant 64 : i32
    %parallel_loop3A_133 = arith.constant 96 : i32
    %parallel_loop3A_134 = arith.constant 1 : i32
    scf.for %parallel_loop3A_160 = %parallel_loop3A_132 to %parallel_loop3A_133 step %parallel_loop3A_134  : i32 {
      %parallel_loop3A_161 = arith.index_cast %parallel_loop3A_160 : i32 to index
      %parallel_loop3A_162 = arith.constant 0 : index
      %parallel_loop3A_163 = tpu.vector_load %arg9[%parallel_loop3A_161, %parallel_loop3A_162] {strides = array<i32>} : memref<128x128xf32, #tpu.memory_space<vmem>>, vector<16xf32>,
      %parallel_loop3A_164 = arith.index_cast %parallel_loop3A_160 : i32 to index
      %parallel_loop3A_165 = arith.constant 0 : index
      %parallel_loop3A_166 = tpu.vector_load %arg10[%parallel_loop3A_164, %parallel_loop3A_165] {strides = array<i32>} : memref<128x128xf32, #tpu.memory_space<vmem>>, vector<16xf32>,
      %parallel_loop3A_167 = arith.mulf %parallel_loop3A_163, %parallel_loop3A_166 : vector<16xf32>
      %parallel_loop3A_168 = arith.index_cast %parallel_loop3A_160 : i32 to index
      %parallel_loop3A_169 = arith.constant 16 : index
      %parallel_loop3A_170 = tpu.vector_load %arg9[%parallel_loop3A_168, %parallel_loop3A_169] {strides = array<i32>} : memref<128x128xf32, #tpu.memory_space<vmem>>, vector<16xf32>,
      %parallel_loop3A_171 = arith.index_cast %parallel_loop3A_160 : i32 to index
      %parallel_loop3A_172 = arith.constant 16 : index
      %parallel_loop3A_173 = tpu.vector_load %arg10[%parallel_loop3A_171, %parallel_loop3A_172] {strides = array<i32>} : memref<128x128xf32, #tpu.memory_space<vmem>>, vector<16xf32>,
      %parallel_loop3A_174 = arith.mulf %parallel_loop3A_170, %parallel_loop3A_173 : vector<16xf32>
      %parallel_loop3A_175 = arith.addf %parallel_loop3A_167, %parallel_loop3A_174 : vector<16xf32>
      %parallel_loop3A_176 = arith.index_cast %parallel_loop3A_160 : i32 to index
      %parallel_loop3A_177 = arith.constant 32 : index
      %parallel_loop3A_178 = tpu.vector_load %arg9[%parallel_loop3A_176, %parallel_loop3A_177] {strides = array<i32>} : memref<128x128xf32, #tpu.memory_space<vmem>>, vector<16xf32>,
      %parallel_loop3A_179 = arith.index_cast %parallel_loop3A_160 : i32 to index
      %parallel_loop3A_180 = arith.constant 32 : index
      %parallel_loop3A_181 = tpu.vector_load %arg10[%parallel_loop3A_179, %parallel_loop3A_180] {strides = array<i32>} : memref<128x128xf32, #tpu.memory_space<vmem>>, vector<16xf32>,
      %parallel_loop3A_182 = arith.mulf %parallel_loop3A_178, %parallel_loop3A_181 : vector<16xf32>
      %parallel_loop3A_183 = arith.addf %parallel_loop3A_175, %parallel_loop3A_182 : vector<16xf32>
      %parallel_loop3A_184 = arith.index_cast %parallel_loop3A_160 : i32 to index
      %parallel_loop3A_185 = arith.constant 48 : index
      %parallel_loop3A_186 = tpu.vector_load %arg9[%parallel_loop3A_184, %parallel_loop3A_185] {strides = array<i32>} : memref<128x128xf32, #tpu.memory_space<vmem>>, vector<16xf32>,
      %parallel_loop3A_187 = arith.index_cast %parallel_loop3A_160 : i32 to index
      %parallel_loop3A_188 = arith.constant 48 : index
      %parallel_loop3A_189 = tpu.vector_load %arg10[%parallel_loop3A_187, %parallel_loop3A_188] {strides = array<i32>} : memref<128x128xf32, #tpu.memory_space<vmem>>, vector<16xf32>,
      %parallel_loop3A_190 = arith.mulf %parallel_loop3A_186, %parallel_loop3A_189 : vector<16xf32>
      %parallel_loop3A_191 = arith.addf %parallel_loop3A_183, %parallel_loop3A_190 : vector<16xf32>
      %parallel_loop3A_192 = arith.index_cast %parallel_loop3A_160 : i32 to index
      %parallel_loop3A_193 = arith.constant 64 : index
      %parallel_loop3A_194 = tpu.vector_load %arg9[%parallel_loop3A_192, %parallel_loop3A_193] {strides = array<i32>} : memref<128x128xf32, #tpu.memory_space<vmem>>, vector<16xf32>,
      %parallel_loop3A_195 = arith.index_cast %parallel_loop3A_160 : i32 to index
      %parallel_loop3A_196 = arith.constant 64 : index
      %parallel_loop3A_197 = tpu.vector_load %arg10[%parallel_loop3A_195, %parallel_loop3A_196] {strides = array<i32>} : memref<128x128xf32, #tpu.memory_space<vmem>>, vector<16xf32>,
      %parallel_loop3A_198 = arith.mulf %parallel_loop3A_194, %parallel_loop3A_197 : vector<16xf32>
      %parallel_loop3A_199 = arith.addf %parallel_loop3A_191, %parallel_loop3A_198 : vector<16xf32>
      %parallel_loop3A_200 = arith.index_cast %parallel_loop3A_160 : i32 to index
      %parallel_loop3A_201 = arith.constant 80 : index
      %parallel_loop3A_202 = tpu.vector_load %arg9[%parallel_loop3A_200, %parallel_loop3A_201] {strides = array<i32>} : memref<128x128xf32, #tpu.memory_space<vmem>>, vector<16xf32>,
      %parallel_loop3A_203 = arith.index_cast %parallel_loop3A_160 : i32 to index
      %parallel_loop3A_204 = arith.constant 80 : index
      %parallel_loop3A_205 = tpu.vector_load %arg10[%parallel_loop3A_203, %parallel_loop3A_204] {strides = array<i32>} : memref<128x128xf32, #tpu.memory_space<vmem>>, vector<16xf32>,
      %parallel_loop3A_206 = arith.mulf %parallel_loop3A_202, %parallel_loop3A_205 : vector<16xf32>
      %parallel_loop3A_207 = arith.addf %parallel_loop3A_199, %parallel_loop3A_206 : vector<16xf32>
      %parallel_loop3A_208 = arith.index_cast %parallel_loop3A_160 : i32 to index
      %parallel_loop3A_209 = arith.constant 96 : index
      %parallel_loop3A_210 = tpu.vector_load %arg9[%parallel_loop3A_208, %parallel_loop3A_209] {strides = array<i32>} : memref<128x128xf32, #tpu.memory_space<vmem>>, vector<16xf32>,
      %parallel_loop3A_211 = arith.index_cast %parallel_loop3A_160 : i32 to index
      %parallel_loop3A_212 = arith.constant 96 : index
      %parallel_loop3A_213 = tpu.vector_load %arg10[%parallel_loop3A_211, %parallel_loop3A_212] {strides = array<i32>} : memref<128x128xf32, #tpu.memory_space<vmem>>, vector<16xf32>,
      %parallel_loop3A_214 = arith.mulf %parallel_loop3A_210, %parallel_loop3A_213 : vector<16xf32>
      %parallel_loop3A_215 = arith.addf %parallel_loop3A_207, %parallel_loop3A_214 : vector<16xf32>
      %parallel_loop3A_216 = arith.index_cast %parallel_loop3A_160 : i32 to index
      %parallel_loop3A_217 = arith.constant 112 : index
      %parallel_loop3A_218 = tpu.vector_load %arg9[%parallel_loop3A_216, %parallel_loop3A_217] {strides = array<i32>} : memref<128x128xf32, #tpu.memory_space<vmem>>, vector<16xf32>,
      %parallel_loop3A_219 = arith.index_cast %parallel_loop3A_160 : i32 to index
      %parallel_loop3A_220 = arith.constant 112 : index
      %parallel_loop3A_221 = tpu.vector_load %arg10[%parallel_loop3A_219, %parallel_loop3A_220] {strides = array<i32>} : memref<128x128xf32, #tpu.memory_space<vmem>>, vector<16xf32>,
      %parallel_loop3A_222 = arith.mulf %parallel_loop3A_218, %parallel_loop3A_221 : vector<16xf32>
      %parallel_loop3A_223 = arith.addf %parallel_loop3A_215, %parallel_loop3A_222 : vector<16xf32>
      %parallel_loop3A_224 = arith.constant 17 : i32
      %parallel_loop3A_225 = arith.muli %parallel_loop3A_160, %parallel_loop3A_224 : i32
      %parallel_loop3A_226 = arith.index_cast %parallel_loop3A_225 : i32 to index
      %parallel_loop3A_227 = tpu.vector_load %arg11[%parallel_loop3A_226] {strides = array<i32>} : memref<2176xf32, #tpu.memory_space<vmem>>, vector<16xf32>,
      tpu.vector_store %arg11[%parallel_loop3A_226], %parallel_loop3A_223 {strides = array<i32>} : memref<2176xf32, #tpu.memory_space<vmem>>, vector<16xf32>,
    } {sc.loop_unroll_factor = 1 : i64, sc.parallel_access}
    %parallel_loop3A_135 = arith.constant 4 : i32
    %parallel_loop3A_136 = arith.constant 6 : i32
    %parallel_loop3A_137 = arith.constant 1 : i32
    scf.for %parallel_loop3A_160 = %parallel_loop3A_135 to %parallel_loop3A_136 step %parallel_loop3A_137  : i32 {
      %parallel_loop3A_161 = arith.constant 16 : i32
      %parallel_loop3A_162 = arith.muli %parallel_loop3A_160, %parallel_loop3A_161 : i32
      %parallel_loop3A_163 = vector.broadcast %parallel_loop3A_162 : i32 to vector<16xi32>
      %parallel_loop3A_164 = arith.addi %parallel_loop3A_163, %iota3A : vector<16xi32>
      %parallel_loop3A_165 = arith.constant 17 : i32
      %parallel_loop3A_166 = vector.broadcast %parallel_loop3A_165 : i32 to vector<16xi32>
      %parallel_loop3A_167 = arith.muli %parallel_loop3A_164, %parallel_loop3A_166 : vector<16xi32>
      %parallel_loop3A_168 = tpu.vector_load_idx %arg11[%parallel_loop3A_167] : memref<2176xf32, #tpu.memory_space<vmem>>[vector<16xi32>], vector<16xf32>,
      %parallel_loop3A_169 = arith.constant 1 : i32
      %parallel_loop3A_170 = vector.broadcast %parallel_loop3A_169 : i32 to vector<16xi32>
      %parallel_loop3A_171 = arith.addi %parallel_loop3A_167, %parallel_loop3A_170 : vector<16xi32>
      %parallel_loop3A_172 = tpu.vector_load_idx %arg11[%parallel_loop3A_171] : memref<2176xf32, #tpu.memory_space<vmem>>[vector<16xi32>], vector<16xf32>,
      %parallel_loop3A_173 = arith.addf %parallel_loop3A_168, %parallel_loop3A_172 : vector<16xf32>
      %parallel_loop3A_174 = arith.constant 2 : i32
      %parallel_loop3A_175 = vector.broadcast %parallel_loop3A_174 : i32 to vector<16xi32>
      %parallel_loop3A_176 = arith.addi %parallel_loop3A_167, %parallel_loop3A_175 : vector<16xi32>
      %parallel_loop3A_177 = tpu.vector_load_idx %arg11[%parallel_loop3A_176] : memref<2176xf32, #tpu.memory_space<vmem>>[vector<16xi32>], vector<16xf32>,
      %parallel_loop3A_178 = arith.addf %parallel_loop3A_173, %parallel_loop3A_177 : vector<16xf32>
      %parallel_loop3A_179 = arith.constant 3 : i32
      %parallel_loop3A_180 = vector.broadcast %parallel_loop3A_179 : i32 to vector<16xi32>
      %parallel_loop3A_181 = arith.addi %parallel_loop3A_167, %parallel_loop3A_180 : vector<16xi32>
      %parallel_loop3A_182 = tpu.vector_load_idx %arg11[%parallel_loop3A_181] : memref<2176xf32, #tpu.memory_space<vmem>>[vector<16xi32>], vector<16xf32>,
      %parallel_loop3A_183 = arith.addf %parallel_loop3A_178, %parallel_loop3A_182 : vector<16xf32>
      %parallel_loop3A_184 = arith.constant 4 : i32
      %parallel_loop3A_185 = vector.broadcast %parallel_loop3A_184 : i32 to vector<16xi32>
      %parallel_loop3A_186 = arith.addi %parallel_loop3A_167, %parallel_loop3A_185 : vector<16xi32>
      %parallel_loop3A_187 = tpu.vector_load_idx %arg11[%parallel_loop3A_186] : memref<2176xf32, #tpu.memory_space<vmem>>[vector<16xi32>], vector<16xf32>,
      %parallel_loop3A_188 = arith.addf %parallel_loop3A_183, %parallel_loop3A_187 : vector<16xf32>
      %parallel_loop3A_189 = arith.constant 5 : i32
      %parallel_loop3A_190 = vector.broadcast %parallel_loop3A_189 : i32 to vector<16xi32>
      %parallel_loop3A_191 = arith.addi %parallel_loop3A_167, %parallel_loop3A_190 : vector<16xi32>
      %parallel_loop3A_192 = tpu.vector_load_idx %arg11[%parallel_loop3A_191] : memref<2176xf32, #tpu.memory_space<vmem>>[vector<16xi32>], vector<16xf32>,
      %parallel_loop3A_193 = arith.addf %parallel_loop3A_188, %parallel_loop3A_192 : vector<16xf32>
      %parallel_loop3A_194 = arith.constant 6 : i32
      %parallel_loop3A_195 = vector.broadcast %parallel_loop3A_194 : i32 to vector<16xi32>
      %parallel_loop3A_196 = arith.addi %parallel_loop3A_167, %parallel_loop3A_195 : vector<16xi32>
      %parallel_loop3A_197 = tpu.vector_load_idx %arg11[%parallel_loop3A_196] : memref<2176xf32, #tpu.memory_space<vmem>>[vector<16xi32>], vector<16xf32>,
      %parallel_loop3A_198 = arith.addf %parallel_loop3A_193, %parallel_loop3A_197 : vector<16xf32>
      %parallel_loop3A_199 = arith.constant 7 : i32
      %parallel_loop3A_200 = vector.broadcast %parallel_loop3A_199 : i32 to vector<16xi32>
      %parallel_loop3A_201 = arith.addi %parallel_loop3A_167, %parallel_loop3A_200 : vector<16xi32>
      %parallel_loop3A_202 = tpu.vector_load_idx %arg11[%parallel_loop3A_201] : memref<2176xf32, #tpu.memory_space<vmem>>[vector<16xi32>], vector<16xf32>,
      %parallel_loop3A_203 = arith.addf %parallel_loop3A_198, %parallel_loop3A_202 : vector<16xf32>
      %parallel_loop3A_204 = arith.constant 8 : i32
      %parallel_loop3A_205 = vector.broadcast %parallel_loop3A_204 : i32 to vector<16xi32>
      %parallel_loop3A_206 = arith.addi %parallel_loop3A_167, %parallel_loop3A_205 : vector<16xi32>
      %parallel_loop3A_207 = tpu.vector_load_idx %arg11[%parallel_loop3A_206] : memref<2176xf32, #tpu.memory_space<vmem>>[vector<16xi32>], vector<16xf32>,
      %parallel_loop3A_208 = arith.addf %parallel_loop3A_203, %parallel_loop3A_207 : vector<16xf32>
      %parallel_loop3A_209 = arith.constant 9 : i32
      %parallel_loop3A_210 = vector.broadcast %parallel_loop3A_209 : i32 to vector<16xi32>
      %parallel_loop3A_211 = arith.addi %parallel_loop3A_167, %parallel_loop3A_210 : vector<16xi32>
      %parallel_loop3A_212 = tpu.vector_load_idx %arg11[%parallel_loop3A_211] : memref<2176xf32, #tpu.memory_space<vmem>>[vector<16xi32>], vector<16xf32>,
      %parallel_loop3A_213 = arith.addf %parallel_loop3A_208, %parallel_loop3A_212 : vector<16xf32>
      %parallel_loop3A_214 = arith.constant 10 : i32
      %parallel_loop3A_215 = vector.broadcast %parallel_loop3A_214 : i32 to vector<16xi32>
      %parallel_loop3A_216 = arith.addi %parallel_loop3A_167, %parallel_loop3A_215 : vector<16xi32>
      %parallel_loop3A_217 = tpu.vector_load_idx %arg11[%parallel_loop3A_216] : memref<2176xf32, #tpu.memory_space<vmem>>[vector<16xi32>], vector<16xf32>,
      %parallel_loop3A_218 = arith.addf %parallel_loop3A_213, %parallel_loop3A_217 : vector<16xf32>
      %parallel_loop3A_219 = arith.constant 11 : i32
      %parallel_loop3A_220 = vector.broadcast %parallel_loop3A_219 : i32 to vector<16xi32>
      %parallel_loop3A_221 = arith.addi %parallel_loop3A_167, %parallel_loop3A_220 : vector<16xi32>
      %parallel_loop3A_222 = tpu.vector_load_idx %arg11[%parallel_loop3A_221] : memref<2176xf32, #tpu.memory_space<vmem>>[vector<16xi32>], vector<16xf32>,
      %parallel_loop3A_223 = arith.addf %parallel_loop3A_218, %parallel_loop3A_222 : vector<16xf32>
      %parallel_loop3A_224 = arith.constant 12 : i32
      %parallel_loop3A_225 = vector.broadcast %parallel_loop3A_224 : i32 to vector<16xi32>
      %parallel_loop3A_226 = arith.addi %parallel_loop3A_167, %parallel_loop3A_225 : vector<16xi32>
      %parallel_loop3A_227 = tpu.vector_load_idx %arg11[%parallel_loop3A_226] : memref<2176xf32, #tpu.memory_space<vmem>>[vector<16xi32>], vector<16xf32>,
      %parallel_loop3A_228 = arith.addf %parallel_loop3A_223, %parallel_loop3A_227 : vector<16xf32>
      %parallel_loop3A_229 = arith.constant 13 : i32
      %parallel_loop3A_230 = vector.broadcast %parallel_loop3A_229 : i32 to vector<16xi32>
      %parallel_loop3A_231 = arith.addi %parallel_loop3A_167, %parallel_loop3A_230 : vector<16xi32>
      %parallel_loop3A_232 = tpu.vector_load_idx %arg11[%parallel_loop3A_231] : memref<2176xf32, #tpu.memory_space<vmem>>[vector<16xi32>], vector<16xf32>,
      %parallel_loop3A_233 = arith.addf %parallel_loop3A_228, %parallel_loop3A_232 : vector<16xf32>
      %parallel_loop3A_234 = arith.constant 14 : i32
      %parallel_loop3A_235 = vector.broadcast %parallel_loop3A_234 : i32 to vector<16xi32>
      %parallel_loop3A_236 = arith.addi %parallel_loop3A_167, %parallel_loop3A_235 : vector<16xi32>
      %parallel_loop3A_237 = tpu.vector_load_idx %arg11[%parallel_loop3A_236] : memref<2176xf32, #tpu.memory_space<vmem>>[vector<16xi32>], vector<16xf32>,
      %parallel_loop3A_238 = arith.addf %parallel_loop3A_233, %parallel_loop3A_237 : vector<16xf32>
      %parallel_loop3A_239 = arith.constant 15 : i32
      %parallel_loop3A_240 = vector.broadcast %parallel_loop3A_239 : i32 to vector<16xi32>
      %parallel_loop3A_241 = arith.addi %parallel_loop3A_167, %parallel_loop3A_240 : vector<16xi32>
      %parallel_loop3A_242 = tpu.vector_load_idx %arg11[%parallel_loop3A_241] : memref<2176xf32, #tpu.memory_space<vmem>>[vector<16xi32>], vector<16xf32>,
      %parallel_loop3A_243 = arith.addf %parallel_loop3A_238, %parallel_loop3A_242 : vector<16xf32>
      %parallel_loop3A_244 = arith.constant 16 : i32
      %parallel_loop3A_245 = arith.muli %parallel_loop3A_160, %parallel_loop3A_244 : i32
      %parallel_loop3A_246 = arith.index_cast %parallel_loop3A_245 : i32 to index
      %parallel_loop3A_247 = tpu.vector_load %arg12[%parallel_loop3A_246] {strides = array<i32>} : memref<128xf32, #tpu.memory_space<vmem>>, vector<16xf32>,
      tpu.vector_store %arg12[%parallel_loop3A_246], %parallel_loop3A_243 {strides = array<i32>} : memref<128xf32, #tpu.memory_space<vmem>>, vector<16xf32>,
    } {sc.loop_unroll_factor = 1 : i64, sc.parallel_access}
    %dma_wait3A_138 = arith.constant 96 : i32
    %dma_wait3A_139 = arith.constant 0 : i32
    %dma_wait3A_140 = tpu.memref_slice %arg9[%dma_wait3A_138, %dma_wait3A_139] : memref<128x128xf32, #tpu.memory_space<vmem>> -> memref<32x128xf32, #tpu.memory_space<vmem>>
    %dma_wait3A_141 = arith.constant 96 : i32
    %dma_wait3A_142 = tpu.memref_slice %arg7[%dma_wait3A_141] : memref<128xi32, #tpu.memory_space<vmem>> -> memref<32xi32, #tpu.memory_space<vmem>>
    %dma_wait3A_143 = arith.constant 0 : i32
    %dma_wait3A_144 = arith.constant 0 : i32
    %dma_wait3A_145 = tpu.memref_slice %arg2[%dma_wait3A_143, %dma_wait3A_144] : memref<100000x128xf32, #tpu.memory_space<hbm>> -> memref<100000x128xf32, #tpu.memory_space<hbm>>
    tpu.wait_indirect_dma semaphore(%arg21 : memref<!tpu.dma_semaphore, #tpu.memory_space<semaphore_mem>>) src(%dma_wait3A_145 : memref<100000x128xf32, #tpu.memory_space<hbm>>) dst(%dma_wait3A_140 : memref<32x128xf32, #tpu.memory_space<vmem>>)
    %dma_wait3A_146 = arith.constant 96 : i32
    %dma_wait3A_147 = arith.constant 0 : i32
    %dma_wait3A_148 = tpu.memref_slice %arg10[%dma_wait3A_146, %dma_wait3A_147] : memref<128x128xf32, #tpu.memory_space<vmem>> -> memref<32x128xf32, #tpu.memory_space<vmem>>
    %dma_wait3A_149 = arith.constant 96 : i32
    %dma_wait3A_150 = tpu.memref_slice %arg8[%dma_wait3A_149] : memref<128xi32, #tpu.memory_space<vmem>> -> memref<32xi32, #tpu.memory_space<vmem>>
    %dma_wait3A_151 = arith.constant 0 : i32
    %dma_wait3A_152 = arith.constant 0 : i32
    %dma_wait3A_153 = tpu.memref_slice %arg4[%dma_wait3A_151, %dma_wait3A_152] : memref<100000x128xf32, #tpu.memory_space<hbm>> -> memref<100000x128xf32, #tpu.memory_space<hbm>>
    tpu.wait_indirect_dma semaphore(%arg22 : memref<!tpu.dma_semaphore, #tpu.memory_space<semaphore_mem>>) src(%dma_wait3A_153 : memref<100000x128xf32, #tpu.memory_space<hbm>>) dst(%dma_wait3A_148 : memref<32x128xf32, #tpu.memory_space<vmem>>)
    %parallel_loop3A_154 = arith.constant 96 : i32
    %parallel_loop3A_155 = arith.constant 128 : i32
    %parallel_loop3A_156 = arith.constant 1 : i32
    scf.for %parallel_loop3A_160 = %parallel_loop3A_154 to %parallel_loop3A_155 step %parallel_loop3A_156  : i32 {
      %parallel_loop3A_161 = arith.index_cast %parallel_loop3A_160 : i32 to index
      %parallel_loop3A_162 = arith.constant 0 : index
      %parallel_loop3A_163 = tpu.vector_load %arg9[%parallel_loop3A_161, %parallel_loop3A_162] {strides = array<i32>} : memref<128x128xf32, #tpu.memory_space<vmem>>, vector<16xf32>,
      %parallel_loop3A_164 = arith.index_cast %parallel_loop3A_160 : i32 to index
      %parallel_loop3A_165 = arith.constant 0 : index
      %parallel_loop3A_166 = tpu.vector_load %arg10[%parallel_loop3A_164, %parallel_loop3A_165] {strides = array<i32>} : memref<128x128xf32, #tpu.memory_space<vmem>>, vector<16xf32>,
      %parallel_loop3A_167 = arith.mulf %parallel_loop3A_163, %parallel_loop3A_166 : vector<16xf32>
      %parallel_loop3A_168 = arith.index_cast %parallel_loop3A_160 : i32 to index
      %parallel_loop3A_169 = arith.constant 16 : index
      %parallel_loop3A_170 = tpu.vector_load %arg9[%parallel_loop3A_168, %parallel_loop3A_169] {strides = array<i32>} : memref<128x128xf32, #tpu.memory_space<vmem>>, vector<16xf32>,
      %parallel_loop3A_171 = arith.index_cast %parallel_loop3A_160 : i32 to index
      %parallel_loop3A_172 = arith.constant 16 : index
      %parallel_loop3A_173 = tpu.vector_load %arg10[%parallel_loop3A_171, %parallel_loop3A_172] {strides = array<i32>} : memref<128x128xf32, #tpu.memory_space<vmem>>, vector<16xf32>,
      %parallel_loop3A_174 = arith.mulf %parallel_loop3A_170, %parallel_loop3A_173 : vector<16xf32>
      %parallel_loop3A_175 = arith.addf %parallel_loop3A_167, %parallel_loop3A_174 : vector<16xf32>
      %parallel_loop3A_176 = arith.index_cast %parallel_loop3A_160 : i32 to index
      %parallel_loop3A_177 = arith.constant 32 : index
      %parallel_loop3A_178 = tpu.vector_load %arg9[%parallel_loop3A_176, %parallel_loop3A_177] {strides = array<i32>} : memref<128x128xf32, #tpu.memory_space<vmem>>, vector<16xf32>,
      %parallel_loop3A_179 = arith.index_cast %parallel_loop3A_160 : i32 to index
      %parallel_loop3A_180 = arith.constant 32 : index
      %parallel_loop3A_181 = tpu.vector_load %arg10[%parallel_loop3A_179, %parallel_loop3A_180] {strides = array<i32>} : memref<128x128xf32, #tpu.memory_space<vmem>>, vector<16xf32>,
      %parallel_loop3A_182 = arith.mulf %parallel_loop3A_178, %parallel_loop3A_181 : vector<16xf32>
      %parallel_loop3A_183 = arith.addf %parallel_loop3A_175, %parallel_loop3A_182 : vector<16xf32>
      %parallel_loop3A_184 = arith.index_cast %parallel_loop3A_160 : i32 to index
      %parallel_loop3A_185 = arith.constant 48 : index
      %parallel_loop3A_186 = tpu.vector_load %arg9[%parallel_loop3A_184, %parallel_loop3A_185] {strides = array<i32>} : memref<128x128xf32, #tpu.memory_space<vmem>>, vector<16xf32>,
      %parallel_loop3A_187 = arith.index_cast %parallel_loop3A_160 : i32 to index
      %parallel_loop3A_188 = arith.constant 48 : index
      %parallel_loop3A_189 = tpu.vector_load %arg10[%parallel_loop3A_187, %parallel_loop3A_188] {strides = array<i32>} : memref<128x128xf32, #tpu.memory_space<vmem>>, vector<16xf32>,
      %parallel_loop3A_190 = arith.mulf %parallel_loop3A_186, %parallel_loop3A_189 : vector<16xf32>
      %parallel_loop3A_191 = arith.addf %parallel_loop3A_183, %parallel_loop3A_190 : vector<16xf32>
      %parallel_loop3A_192 = arith.index_cast %parallel_loop3A_160 : i32 to index
      %parallel_loop3A_193 = arith.constant 64 : index
      %parallel_loop3A_194 = tpu.vector_load %arg9[%parallel_loop3A_192, %parallel_loop3A_193] {strides = array<i32>} : memref<128x128xf32, #tpu.memory_space<vmem>>, vector<16xf32>,
      %parallel_loop3A_195 = arith.index_cast %parallel_loop3A_160 : i32 to index
      %parallel_loop3A_196 = arith.constant 64 : index
      %parallel_loop3A_197 = tpu.vector_load %arg10[%parallel_loop3A_195, %parallel_loop3A_196] {strides = array<i32>} : memref<128x128xf32, #tpu.memory_space<vmem>>, vector<16xf32>,
      %parallel_loop3A_198 = arith.mulf %parallel_loop3A_194, %parallel_loop3A_197 : vector<16xf32>
      %parallel_loop3A_199 = arith.addf %parallel_loop3A_191, %parallel_loop3A_198 : vector<16xf32>
      %parallel_loop3A_200 = arith.index_cast %parallel_loop3A_160 : i32 to index
      %parallel_loop3A_201 = arith.constant 80 : index
      %parallel_loop3A_202 = tpu.vector_load %arg9[%parallel_loop3A_200, %parallel_loop3A_201] {strides = array<i32>} : memref<128x128xf32, #tpu.memory_space<vmem>>, vector<16xf32>,
      %parallel_loop3A_203 = arith.index_cast %parallel_loop3A_160 : i32 to index
      %parallel_loop3A_204 = arith.constant 80 : index
      %parallel_loop3A_205 = tpu.vector_load %arg10[%parallel_loop3A_203, %parallel_loop3A_204] {strides = array<i32>} : memref<128x128xf32, #tpu.memory_space<vmem>>, vector<16xf32>,
      %parallel_loop3A_206 = arith.mulf %parallel_loop3A_202, %parallel_loop3A_205 : vector<16xf32>
      %parallel_loop3A_207 = arith.addf %parallel_loop3A_199, %parallel_loop3A_206 : vector<16xf32>
      %parallel_loop3A_208 = arith.index_cast %parallel_loop3A_160 : i32 to index
      %parallel_loop3A_209 = arith.constant 96 : index
      %parallel_loop3A_210 = tpu.vector_load %arg9[%parallel_loop3A_208, %parallel_loop3A_209] {strides = array<i32>} : memref<128x128xf32, #tpu.memory_space<vmem>>, vector<16xf32>,
      %parallel_loop3A_211 = arith.index_cast %parallel_loop3A_160 : i32 to index
      %parallel_loop3A_212 = arith.constant 96 : index
      %parallel_loop3A_213 = tpu.vector_load %arg10[%parallel_loop3A_211, %parallel_loop3A_212] {strides = array<i32>} : memref<128x128xf32, #tpu.memory_space<vmem>>, vector<16xf32>,
      %parallel_loop3A_214 = arith.mulf %parallel_loop3A_210, %parallel_loop3A_213 : vector<16xf32>
      %parallel_loop3A_215 = arith.addf %parallel_loop3A_207, %parallel_loop3A_214 : vector<16xf32>
      %parallel_loop3A_216 = arith.index_cast %parallel_loop3A_160 : i32 to index
      %parallel_loop3A_217 = arith.constant 112 : index
      %parallel_loop3A_218 = tpu.vector_load %arg9[%parallel_loop3A_216, %parallel_loop3A_217] {strides = array<i32>} : memref<128x128xf32, #tpu.memory_space<vmem>>, vector<16xf32>,
      %parallel_loop3A_219 = arith.index_cast %parallel_loop3A_160 : i32 to index
      %parallel_loop3A_220 = arith.constant 112 : index
      %parallel_loop3A_221 = tpu.vector_load %arg10[%parallel_loop3A_219, %parallel_loop3A_220] {strides = array<i32>} : memref<128x128xf32, #tpu.memory_space<vmem>>, vector<16xf32>,
      %parallel_loop3A_222 = arith.mulf %parallel_loop3A_218, %parallel_loop3A_221 : vector<16xf32>
      %parallel_loop3A_223 = arith.addf %parallel_loop3A_215, %parallel_loop3A_222 : vector<16xf32>
      %parallel_loop3A_224 = arith.constant 17 : i32
      %parallel_loop3A_225 = arith.muli %parallel_loop3A_160, %parallel_loop3A_224 : i32
      %parallel_loop3A_226 = arith.index_cast %parallel_loop3A_225 : i32 to index
      %parallel_loop3A_227 = tpu.vector_load %arg11[%parallel_loop3A_226] {strides = array<i32>} : memref<2176xf32, #tpu.memory_space<vmem>>, vector<16xf32>,
      tpu.vector_store %arg11[%parallel_loop3A_226], %parallel_loop3A_223 {strides = array<i32>} : memref<2176xf32, #tpu.memory_space<vmem>>, vector<16xf32>,
    } {sc.loop_unroll_factor = 1 : i64, sc.parallel_access}
    %parallel_loop3A_157 = arith.constant 6 : i32
    %parallel_loop3A_158 = arith.constant 8 : i32
    %parallel_loop3A_159 = arith.constant 1 : i32
    scf.for %parallel_loop3A_160 = %parallel_loop3A_157 to %parallel_loop3A_158 step %parallel_loop3A_159  : i32 {
      %parallel_loop3A_161 = arith.constant 16 : i32
      %parallel_loop3A_162 = arith.muli %parallel_loop3A_160, %parallel_loop3A_161 : i32
      %parallel_loop3A_163 = vector.broadcast %parallel_loop3A_162 : i32 to vector<16xi32>
      %parallel_loop3A_164 = arith.addi %parallel_loop3A_163, %iota3A : vector<16xi32>
      %parallel_loop3A_165 = arith.constant 17 : i32
      %parallel_loop3A_166 = vector.broadcast %parallel_loop3A_165 : i32 to vector<16xi32>
      %parallel_loop3A_167 = arith.muli %parallel_loop3A_164, %parallel_loop3A_166 : vector<16xi32>
      %parallel_loop3A_168 = tpu.vector_load_idx %arg11[%parallel_loop3A_167] : memref<2176xf32, #tpu.memory_space<vmem>>[vector<16xi32>], vector<16xf32>,
      %parallel_loop3A_169 = arith.constant 1 : i32
      %parallel_loop3A_170 = vector.broadcast %parallel_loop3A_169 : i32 to vector<16xi32>
      %parallel_loop3A_171 = arith.addi %parallel_loop3A_167, %parallel_loop3A_170 : vector<16xi32>
      %parallel_loop3A_172 = tpu.vector_load_idx %arg11[%parallel_loop3A_171] : memref<2176xf32, #tpu.memory_space<vmem>>[vector<16xi32>], vector<16xf32>,
      %parallel_loop3A_173 = arith.addf %parallel_loop3A_168, %parallel_loop3A_172 : vector<16xf32>
      %parallel_loop3A_174 = arith.constant 2 : i32
      %parallel_loop3A_175 = vector.broadcast %parallel_loop3A_174 : i32 to vector<16xi32>
      %parallel_loop3A_176 = arith.addi %parallel_loop3A_167, %parallel_loop3A_175 : vector<16xi32>
      %parallel_loop3A_177 = tpu.vector_load_idx %arg11[%parallel_loop3A_176] : memref<2176xf32, #tpu.memory_space<vmem>>[vector<16xi32>], vector<16xf32>,
      %parallel_loop3A_178 = arith.addf %parallel_loop3A_173, %parallel_loop3A_177 : vector<16xf32>
      %parallel_loop3A_179 = arith.constant 3 : i32
      %parallel_loop3A_180 = vector.broadcast %parallel_loop3A_179 : i32 to vector<16xi32>
      %parallel_loop3A_181 = arith.addi %parallel_loop3A_167, %parallel_loop3A_180 : vector<16xi32>
      %parallel_loop3A_182 = tpu.vector_load_idx %arg11[%parallel_loop3A_181] : memref<2176xf32, #tpu.memory_space<vmem>>[vector<16xi32>], vector<16xf32>,
      %parallel_loop3A_183 = arith.addf %parallel_loop3A_178, %parallel_loop3A_182 : vector<16xf32>
      %parallel_loop3A_184 = arith.constant 4 : i32
      %parallel_loop3A_185 = vector.broadcast %parallel_loop3A_184 : i32 to vector<16xi32>
      %parallel_loop3A_186 = arith.addi %parallel_loop3A_167, %parallel_loop3A_185 : vector<16xi32>
      %parallel_loop3A_187 = tpu.vector_load_idx %arg11[%parallel_loop3A_186] : memref<2176xf32, #tpu.memory_space<vmem>>[vector<16xi32>], vector<16xf32>,
      %parallel_loop3A_188 = arith.addf %parallel_loop3A_183, %parallel_loop3A_187 : vector<16xf32>
      %parallel_loop3A_189 = arith.constant 5 : i32
      %parallel_loop3A_190 = vector.broadcast %parallel_loop3A_189 : i32 to vector<16xi32>
      %parallel_loop3A_191 = arith.addi %parallel_loop3A_167, %parallel_loop3A_190 : vector<16xi32>
      %parallel_loop3A_192 = tpu.vector_load_idx %arg11[%parallel_loop3A_191] : memref<2176xf32, #tpu.memory_space<vmem>>[vector<16xi32>], vector<16xf32>,
      %parallel_loop3A_193 = arith.addf %parallel_loop3A_188, %parallel_loop3A_192 : vector<16xf32>
      %parallel_loop3A_194 = arith.constant 6 : i32
      %parallel_loop3A_195 = vector.broadcast %parallel_loop3A_194 : i32 to vector<16xi32>
      %parallel_loop3A_196 = arith.addi %parallel_loop3A_167, %parallel_loop3A_195 : vector<16xi32>
      %parallel_loop3A_197 = tpu.vector_load_idx %arg11[%parallel_loop3A_196] : memref<2176xf32, #tpu.memory_space<vmem>>[vector<16xi32>], vector<16xf32>,
      %parallel_loop3A_198 = arith.addf %parallel_loop3A_193, %parallel_loop3A_197 : vector<16xf32>
      %parallel_loop3A_199 = arith.constant 7 : i32
      %parallel_loop3A_200 = vector.broadcast %parallel_loop3A_199 : i32 to vector<16xi32>
      %parallel_loop3A_201 = arith.addi %parallel_loop3A_167, %parallel_loop3A_200 : vector<16xi32>
      %parallel_loop3A_202 = tpu.vector_load_idx %arg11[%parallel_loop3A_201] : memref<2176xf32, #tpu.memory_space<vmem>>[vector<16xi32>], vector<16xf32>,
      %parallel_loop3A_203 = arith.addf %parallel_loop3A_198, %parallel_loop3A_202 : vector<16xf32>
      %parallel_loop3A_204 = arith.constant 8 : i32
      %parallel_loop3A_205 = vector.broadcast %parallel_loop3A_204 : i32 to vector<16xi32>
      %parallel_loop3A_206 = arith.addi %parallel_loop3A_167, %parallel_loop3A_205 : vector<16xi32>
      %parallel_loop3A_207 = tpu.vector_load_idx %arg11[%parallel_loop3A_206] : memref<2176xf32, #tpu.memory_space<vmem>>[vector<16xi32>], vector<16xf32>,
      %parallel_loop3A_208 = arith.addf %parallel_loop3A_203, %parallel_loop3A_207 : vector<16xf32>
      %parallel_loop3A_209 = arith.constant 9 : i32
      %parallel_loop3A_210 = vector.broadcast %parallel_loop3A_209 : i32 to vector<16xi32>
      %parallel_loop3A_211 = arith.addi %parallel_loop3A_167, %parallel_loop3A_210 : vector<16xi32>
      %parallel_loop3A_212 = tpu.vector_load_idx %arg11[%parallel_loop3A_211] : memref<2176xf32, #tpu.memory_space<vmem>>[vector<16xi32>], vector<16xf32>,
      %parallel_loop3A_213 = arith.addf %parallel_loop3A_208, %parallel_loop3A_212 : vector<16xf32>
      %parallel_loop3A_214 = arith.constant 10 : i32
      %parallel_loop3A_215 = vector.broadcast %parallel_loop3A_214 : i32 to vector<16xi32>
      %parallel_loop3A_216 = arith.addi %parallel_loop3A_167, %parallel_loop3A_215 : vector<16xi32>
      %parallel_loop3A_217 = tpu.vector_load_idx %arg11[%parallel_loop3A_216] : memref<2176xf32, #tpu.memory_space<vmem>>[vector<16xi32>], vector<16xf32>,
      %parallel_loop3A_218 = arith.addf %parallel_loop3A_213, %parallel_loop3A_217 : vector<16xf32>
      %parallel_loop3A_219 = arith.constant 11 : i32
      %parallel_loop3A_220 = vector.broadcast %parallel_loop3A_219 : i32 to vector<16xi32>
      %parallel_loop3A_221 = arith.addi %parallel_loop3A_167, %parallel_loop3A_220 : vector<16xi32>
      %parallel_loop3A_222 = tpu.vector_load_idx %arg11[%parallel_loop3A_221] : memref<2176xf32, #tpu.memory_space<vmem>>[vector<16xi32>], vector<16xf32>,
      %parallel_loop3A_223 = arith.addf %parallel_loop3A_218, %parallel_loop3A_222 : vector<16xf32>
      %parallel_loop3A_224 = arith.constant 12 : i32
      %parallel_loop3A_225 = vector.broadcast %parallel_loop3A_224 : i32 to vector<16xi32>
      %parallel_loop3A_226 = arith.addi %parallel_loop3A_167, %parallel_loop3A_225 : vector<16xi32>
      %parallel_loop3A_227 = tpu.vector_load_idx %arg11[%parallel_loop3A_226] : memref<2176xf32, #tpu.memory_space<vmem>>[vector<16xi32>], vector<16xf32>,
      %parallel_loop3A_228 = arith.addf %parallel_loop3A_223, %parallel_loop3A_227 : vector<16xf32>
      %parallel_loop3A_229 = arith.constant 13 : i32
      %parallel_loop3A_230 = vector.broadcast %parallel_loop3A_229 : i32 to vector<16xi32>
      %parallel_loop3A_231 = arith.addi %parallel_loop3A_167, %parallel_loop3A_230 : vector<16xi32>
      %parallel_loop3A_232 = tpu.vector_load_idx %arg11[%parallel_loop3A_231] : memref<2176xf32, #tpu.memory_space<vmem>>[vector<16xi32>], vector<16xf32>,
      %parallel_loop3A_233 = arith.addf %parallel_loop3A_228, %parallel_loop3A_232 : vector<16xf32>
      %parallel_loop3A_234 = arith.constant 14 : i32
      %parallel_loop3A_235 = vector.broadcast %parallel_loop3A_234 : i32 to vector<16xi32>
      %parallel_loop3A_236 = arith.addi %parallel_loop3A_167, %parallel_loop3A_235 : vector<16xi32>
      %parallel_loop3A_237 = tpu.vector_load_idx %arg11[%parallel_loop3A_236] : memref<2176xf32, #tpu.memory_space<vmem>>[vector<16xi32>], vector<16xf32>,
      %parallel_loop3A_238 = arith.addf %parallel_loop3A_233, %parallel_loop3A_237 : vector<16xf32>
      %parallel_loop3A_239 = arith.constant 15 : i32
      %parallel_loop3A_240 = vector.broadcast %parallel_loop3A_239 : i32 to vector<16xi32>
      %parallel_loop3A_241 = arith.addi %parallel_loop3A_167, %parallel_loop3A_240 : vector<16xi32>
      %parallel_loop3A_242 = tpu.vector_load_idx %arg11[%parallel_loop3A_241] : memref<2176xf32, #tpu.memory_space<vmem>>[vector<16xi32>], vector<16xf32>,
      %parallel_loop3A_243 = arith.addf %parallel_loop3A_238, %parallel_loop3A_242 : vector<16xf32>
      %parallel_loop3A_244 = arith.constant 16 : i32
      %parallel_loop3A_245 = arith.muli %parallel_loop3A_160, %parallel_loop3A_244 : i32
      %parallel_loop3A_246 = arith.index_cast %parallel_loop3A_245 : i32 to index
      %parallel_loop3A_247 = tpu.vector_load %arg12[%parallel_loop3A_246] {strides = array<i32>} : memref<128xf32, #tpu.memory_space<vmem>>, vector<16xf32>,
      tpu.vector_store %arg12[%parallel_loop3A_246], %parallel_loop3A_243 {strides = array<i32>} : memref<128xf32, #tpu.memory_space<vmem>>, vector<16xf32>,
    } {sc.loop_unroll_factor = 1 : i64, sc.parallel_access}
    "tpu.region"() ({
      %run_scoped3A = tpu.sem_alloc : memref<!tpu.dma_semaphore, #tpu.memory_space<semaphore_mem>>
      %dma_start3A_160 = tpu.memref_slice %arg6[%mul3A_2] : memref<4096xf32, #tpu.memory_space<hbm>> -> memref<128xf32, #tpu.memory_space<hbm>>
      %dma_start3A_161 = tpu.memref_slice %arg6[%mul3A_2] : memref<4096xf32, #tpu.memory_space<hbm>> -> memref<128xf32, #tpu.memory_space<hbm>>
      tpu.enqueue_dma source(%arg12 : memref<128xf32, #tpu.memory_space<vmem>>) target(%dma_start3A_161 : memref<128xf32, #tpu.memory_space<hbm>>) target_semaphore(%run_scoped3A : memref<!tpu.dma_semaphore, #tpu.memory_space<semaphore_mem>>)
      %dma_wait3A_162 = tpu.memref_slice %arg6[%mul3A_2] : memref<4096xf32, #tpu.memory_space<hbm>> -> memref<128xf32, #tpu.memory_space<hbm>>
      %dma_wait3A_163 = tpu.memref_slice %arg6[%mul3A_2] : memref<4096xf32, #tpu.memory_space<hbm>> -> memref<128xf32, #tpu.memory_space<hbm>>
      tpu.wait_dma2 semaphore(%run_scoped3A : memref<!tpu.dma_semaphore, #tpu.memory_space<semaphore_mem>>) src(%arg12 : memref<128xf32, #tpu.memory_space<vmem>>) dst(%dma_wait3A_163 : memref<128xf32, #tpu.memory_space<hbm>>)
      tpu.yield
    }) : () -> ()
    return
  }
}

</mosaic_0001>

<sc_bundles>
// kernel: kernel.3.cloned.1.call-start
scs
__scs_entry_jumppad:
0x0: {  	(pc) =	sbr.rel $0x88, $3  }
0x1: {  	(tag) =	ssettag $0x0;
	lr =	simm.s32 $0x1  }
0x2: {  	[smem:$0x3F9D] =	sst lr;
	_ =	strace $0xD0000000  }
0x3: {  	_ = 	snop  }
0x4: {  	_ = 	snop  }
0x5: {  	_ = 	snop  }
0x6: {  	_ = 	snop  }
0x7: {  	_ = 	snop  }
__scs_overlays_trampoline_lowered:
0x8: {  	[smem:$0x3FAC] =	sst s0  }
0x9: {  	[smem:$0x3FAD] =	sst s1  }
0xa: {  	[smem:$0x3FAE] =	sst s2  }
0xb: {  	[smem:$0x3FAF] =	sst s3  }
0xc: {  	[smem:$0x3FB0] =	sst s4  }
0xd: {  	[smem:$0x3FB1] =	sst s5  }
0xe: {  	[smem:$0x3FB2] =	sst s6  }
0xf: {  	[smem:$0x3FB3] =	sst s7  }
0x10: {  	[smem:$0x3FB4] =	sst s8  }
0x11: {  	[smem:$0x3FB5] =	sst s9;
	s0 =	simm.s32 @!p0 $0x0  }
0x12: {  	s1 =	sld [smem:$0x3F9B];
	s0 =	simm.s32 @p0 $0x1  }
0x13: {  	[smem:$0x3FB6] =	sst s0;
	s0 =	simm.s32 @!p1 $0x0  }
0x14: {  	s2 =	sld [smem:$0x3F9A];
	s0 =	simm.s32 @p1 $0x1  }
0x15: {  	[smem:$0x3FB7] =	sst s0;
	s0 =	simm.s32 @!p2 $0x0  }
0x16: {  	s3 =	sld [smem:$0x3FDB];
	s0 =	simm.s32 @p2 $0x1  }
0x17: {  	s4 =	simm.s32 $0x1BF5;
	[smem:$0x3FB9] =	sst s0  }
0x18: {  	s0 =	sld [smem:$0x3F9C];
	_ =	swait.ge [sflag:s4], $0x0  }
0x19: {  	s7 =	sld [smem:$0x3F9D]  }
0x1a: {  	s8 =	sadd.s32 $0xFFFFE003, lr  }
0x1b: {  	s9 =	sadd.s32 $0xFFFFFEF7, lr;
	s5 =	simm.s32 $0xFFFFFFFF;
	p2 =	slt.u32 s8, $0xFFFFF086  }
0x1c: {  	p1 =	slt.u32 s9, $0xF7A;
	s5 =	simm.s32 @!p2 $0x0  }
0x1d: {  	s5 =	simm.s32 @p1 $0x1;
	p0 =	seq.s32 s7, s2  }
0x1e: {  	s7 =	smul.u32 @!p0 $0xF7A, s2;
	p2 =	seq.s32 @!p0 s5, $0x0  }
0x1f: {  	s9 =	smul.u32 $0xF7A, s1;
	s8 =	simm.s32 @!p0 $0x1BF5;
	p2 =	por !p2, p0  }
0x20: {  	[sflag:s8] =	ssyncset.s32 @!p0 $0xFFFFF086;
	s6 =	sadd.s32 @!p0 s3, s7;
	s7 =	simm.s32 @!p0 $0x108  }
0x21: {  	s3 =	sadd.s32 s3, s9;
	s6 =	sadd.s32 @!p0 $0x88, s6;
	s7 =	simm.s32 @p2 $0x1082  }
0x22: {  	[simem:s7], [sflag:s8] =	dma.local @!p0 [hbm:s6], $0xF7A  }
0x23: {  	s9 =	sor.u32 $0xD0000000, s2;
	s6 =	simm.s32 $0x108;
	_ =	swait.ge @!p0 [sflag:s8], $0x0  }
0x24: {  	s3 =	sadd.s32 $0x88, s3;
	s6 =	simm.s32 @!p1 $0x1082;
	[sflag:s4] =	ssyncset.s32 $0xFFFFF086  }
0x25: {  	[simem:s6], [sflag:s4] =	dma.local [hbm:s3], $0xF7A  }
0x26: {  	[smem:$0x3F9D] =	sst s1;
	(tag) =	ssettag s2;
	_ =	strace s9  }
0x27: {  	s1 =	sld [smem:$0x3FAD]  }
0x28: {  	s2 =	sld [smem:$0x3FAE]  }
0x29: {  	s4 =	sld [smem:$0x3FB0]  }
0x2a: {  	p0 =	seq.s32 s5, $0x0;
	s5 =	sld [smem:$0x3FB1]  }
0x2b: {  	s6 =	sld [smem:$0x3FB2]  }
0x2c: {  	s7 =	sld [smem:$0x3FB3]  }
0x2d: {  	s3 =	simm.s32 $0x108;
	s8 =	sld [smem:$0x3FB4]  }
0x2e: {  	s3 =	simm.s32 @!p0 $0x1082;
	s9 =	sld [smem:$0x3FB5]  }
0x2f: {  	lr =	sadd.s32 s0, s3;
	s0 =	sld [smem:$0x3FAC]  }
0x30: {  	s3 =	sld [smem:$0x3FAF]  }
0x31: {  	[smem:$0x3FB8] =	sst s10  }
0x32: {  	s10 =	sld [smem:$0x3FB6];
	_ =	sdelay $0x3  }
0x33: {  	p0 =	seq.s32 s10, $0x1;
	s10 =	sld [smem:$0x3FB8];
	_ =	sdelay $0x3  }
0x34: {  	[smem:$0x3FB8] =	sst s10  }
0x35: {  	s10 =	sld [smem:$0x3FB7];
	_ =	sdelay $0x3  }
0x36: {  	p1 =	seq.s32 s10, $0x1;
	s10 =	sld [smem:$0x3FB8];
	_ =	sdelay $0x3  }
0x37: {  	[smem:$0x3FB8] =	sst s10  }
0x38: {  	s10 =	sld [smem:$0x3FB9]  }
0x39: {  	_ = 	snop;
	(pc) =	sbr.ind lr, $3  }
0x3a: {  	_ = 	snop  }
0x3b: {  	_ = 	snop  }
0x3c: {  	p2 =	seq.s32 s10, $0x1;
	s10 =	sld [smem:$0x3FB8]  }
0x3d: {  	_ =	shalt  }
0x3e: {  	_ =	shalt  }
0x3f: {  	_ =	shalt  }
0x40: {  	_ =	shalt  }
0x41: {  	_ =	shalt  }
0x42: {  	_ =	shalt  }
0x43: {  	_ =	shalt  }
0x44: {  	_ =	shalt  }
0x45: {  	_ =	shalt  }
0x46: {  	_ =	shalt  }
0x47: {  	_ =	shalt  }
0x48: {  	_ =	shalt  }
0x49: {  	_ =	shalt  }
0x4a: {  	_ =	shalt  }
0x4b: {  	_ =	shalt  }
0x4c: {  	_ =	shalt  }
0x4d: {  	_ =	shalt  }
0x4e: {  	_ =	shalt  }
0x4f: {  	_ =	shalt  }
0x50: {  	_ =	shalt  }
0x51: {  	_ =	shalt  }
0x52: {  	_ =	shalt  }
0x53: {  	_ =	shalt  }
0x54: {  	_ =	shalt  }
0x55: {  	_ =	shalt  }
0x56: {  	_ =	shalt  }
0x57: {  	_ =	shalt  }
0x58: {  	_ =	shalt  }
0x59: {  	_ =	shalt  }
0x5a: {  	_ =	shalt  }
0x5b: {  	_ =	shalt  }
0x5c: {  	_ =	shalt  }
0x5d: {  	_ =	shalt  }
0x5e: {  	_ =	shalt  }
0x5f: {  	_ =	shalt  }
0x60: {  	_ =	shalt  }
0x61: {  	_ =	shalt  }
0x62: {  	_ =	shalt  }
0x63: {  	_ =	shalt  }
0x64: {  	_ =	shalt  }
0x65: {  	_ =	shalt  }
0x66: {  	_ =	shalt  }
0x67: {  	_ =	shalt  }
0x68: {  	_ =	shalt  }
0x69: {  	_ =	shalt  }
0x6a: {  	_ =	shalt  }
0x6b: {  	_ =	shalt  }
0x6c: {  	_ =	shalt  }
0x6d: {  	_ =	shalt  }
0x6e: {  	_ =	shalt  }
0x6f: {  	_ =	shalt  }
0x70: {  	_ =	shalt  }
0x71: {  	_ =	shalt  }
0x72: {  	_ =	shalt  }
0x73: {  	_ =	shalt  }
0x74: {  	_ =	shalt  }
0x75: {  	_ =	shalt  }
0x76: {  	_ =	shalt  }
0x77: {  	_ =	shalt  }
0x78: {  	_ =	shalt  }
0x79: {  	_ =	shalt  }
0x7a: {  	_ =	shalt  }
0x7b: {  	_ =	shalt  }
0x7c: {  	_ =	shalt  }
0x7d: {  	_ =	shalt  }
0x7e: {  	_ =	shalt  }
0x7f: {  	_ =	shalt  }
0x80: {  	_ =	shalt  }
0x81: {  	_ =	shalt  }
0x82: {  	_ =	shalt  }
0x83: {  	_ =	shalt  }
0x84: {  	_ =	shalt  }
0x85: {  	_ =	shalt  }
0x86: {  	_ =	shalt  }
0x87: {  	_ =	shalt  }
.Lfunc_end0:
.L_simem_size_0:
called_computation_lowered:
.L_overlay_start_0:
0x88: {  	s2 =	sld [smem:$0x3FD9]  }
0x89: {  	s3 =	sld [smem:$0x3FFE];
	_ =	sdelay $0x1  }
0x8a: {  	s1 =	srdreg.scid  }
0x8b: {  	s0 =	sand.u32 $0x1, s1  }
0x8c: {  	s18 =	sshll.u32 s0, $0xA;
	s2 =	sadd.s32 s3, s2  }
0x8d: {  	s2 =	sadd.s32 s2, s18  }
0x8e: {  	[smem:$0x3FC4] =	sst s2  }
0x8f: {  	_ = 	snop  }
0x90: {  	s2 =	sld [smem:$0x3FC9]  }
0x91: {  	s19 =	sld [smem:$0x3FC8]  }
0x92: {  	s4 =	sld [smem:$0x3FC7]  }
0x93: {  	s5 =	sld [smem:$0x3FC6]  }
0x94: {  	s6 =	sld [smem:$0x3FD0];
	(tm) =	ssettm $0x1  }
0x95: {  	s7 =	sld [smem:$0x3FFB];
	_ =	sdelay $0x3  }
0x96: {  	_ =	strace s7  }
0x97: {  	s7 =	sld [smem:$0x3FFC];
	_ =	sdelay $0x3  }
0x98: {  	_ =	strace s7  }
0x99: {  	s7 =	sld [smem:$0x3FFD];
	_ =	sdelay $0x3  }
0x9a: {  	_ =	strace s7  }
0x9b: {  	_ =	strace $0x8FFFFFFF  }
0x9c: {  	s20 =	sld [smem:$0x3FDB];
	_ =	sdelay $0x1  }
0x9d: {  	s8 =	simm.s32 $_scs_section_size  }
0x9e: {  	s9 =	simm.s32 $_size__tile_overlayer_lowered;
	s10 =	simm.s32 $_tile_overlayer_lowered  }
0x9f: {  	s23 =	simm.s32 $0x1BFF;
	s22 =	sshll.u32 s10, $0x1;
	s7 =	sadd.s32 s8, s20  }
0xa0: {  	s11 =	simm.s32 $0x0;
	s21 =	sshll.u32 s9, $0x1;
	s9 =	sadd.s32 s22, s7  }
0xa1: {  	[timem:s11], [sflag:s23] =	dma.local [hbm:s9], s21  }
0xa2: {  	_ =	swait.ge [sflag:s23], s21  }
0xa3: {  	s8 =	ssub.s32 $0x0, s21;
	[sflag:s23] =	ssyncset.done $0x0  }
0xa4: {  	[sflag:s23] =	ssyncadd.s32 s8;
	_ =	sdelay $0x1  }
0xa5: {  	s24 =	simm.s32 $0x1B8B  }
0xa6: {  	_ =	swait.ge [sflag:s24], $0x1  }
0xa7: {  	[sflag:s24] =	ssyncset.done $0x0  }
0xa8: {  	s25 =	simm.s32 $0x1B8E;
	[sflag:s24] =	ssyncadd.s32 $0xFFFFFFFF  }
0xa9: {  	s26 =	simm.s32 $execute0_lowered;
	[smem:$0x3FD2] =	sst s25  }
0xaa: {  	s8 =	sshll.u32 s26, $0x1;
	_ =	strace $0x80000046;
	[dreg:$0x1] =	wrdreg $0xFFFFFFFF  }
0xab: {  	s28 =	simm.s32 $_size_execute0_lowered;
	s7 =	sadd.s32 s7, s8;
	[dreg:$0x0] =	wrdreg $0x0  }
0xac: {  	s8 =	sshll.u32 s28, $0x1;
	[dreg:$0x2] =	wrdreg s7  }
0xad: {  	[dreg:$0x3] =	wrdreg s8  }
0xae: {  	[dreg:$0x4] =	wrdreg $0xC0  }
0xaf: {  	_ =	task [dreg:s11], $0x5FFFF  }
0xb0: {  	[dreg:$0x1] =	wrdreg $0xFFFFFFFF  }
0xb1: {  	[dreg:$0x0] =	wrdreg $0x60  }
0xb2: {  	[dreg:$0x2] =	wrdreg s4  }
0xb3: {  	[dreg:$0x3] =	wrdreg s2  }
0xb4: {  	[dreg:$0x4] =	wrdreg s5  }
0xb5: {  	[dreg:$0x5] =	wrdreg s19  }
0xb6: {  	[dreg:$0x6] =	wrdreg s6  }
0xb7: {  	[dreg:$0x7] =	wrdreg $0x9  }
0xb8: {  	_ =	task.clear_ibuf [dreg:s11], $0x8FFFF;
	_ =	strace $0x90000046  }
0xb9: {  	s29 =	simm.s32 $0x9;
	_ =	strace $0x80000048  }
0xba: {  	_ =	swait.ge [sflag:s29], $0x1  }
0xbb: {  	[sflag:s29] =	ssyncadd.s32 $0xFFFFFFFF  }
0xbc: {  	_ =	strace $0x90000048  }
0xbd: {  	_ =	sfence  }
0xbe: {  	s30 =	sld [smem:$0x0];
	_ =	sdelay $0x2  }
0xbf: {  	s31 =	sshll.u32 s1, $0xD;
	s1 =	sshrl.u32 s1, $0x2  }
0xc0: {  	s3 =	sand.u32 $0x4000, s31;
	s1 =	sadd.s32 s1, s30  }
0xc1: {  	s0 =	sor.u32 s3, s0;
	s1 =	sshll.u32 s1, $0x11  }
0xc2: {  	s0 =	sor.u32 s1, s0  }
0xc3: {  	s0 =	sadd.s32 $0x8F2B, s0  }
0xc4: {  	[sflag:s0] =	ssyncadd.remote.s32 $0x1  }
0xc5: {  	_ =	sfence.sel $0xFFFF  }
0xc6: {  	[dreg:$0x0] =	wrdreg $0xFFFFFFFF;
	(pc) =	sbr.abs _section_cstart, $3  }
0xc7: {  	[dreg:$0x1] =	wrdreg $0xFFFFFFFF  }
0xc8: {  	_ =	task.clear_ibuf [dreg:s11], $0x2FFFF;
	_ =	strace $0x9FFFFFFF  }
0xc9: {  	(tm) =	ssettm $0x7FFFFFFF  }
tec
execute0_lowered:
.L_overlay_start_1:
0x0: {  	(tag) =	ssettag $0x1  }
0x1: {  	s1 =	rddreg [dreg:$0x0]  }
0x2: {  	s0 =	rddreg [dreg:$0x1]  }
0x3: {  	s2 =	rddreg [dreg:$0x2]  }
0x4: {  	s3 =	rddreg [dreg:$0x3]  }
0x5: {  	s7 =	rddreg [dreg:$0x4];
	s5 =	srdreg.scid  }
0x6: {  	s4 =	simm.s32 $0x0;
	s9 =	stileid.u32;
	s10 =	simm.s32 $0x1  }
0x7: {  	s11 =	simm.s32 $0x20;
	s18 =	simm.s32 $0x2;
	s21 =	simm.s32 $0x5100  }
0x8: {  	s22 =	simm.s32 $0xC0;
	s23 =	simm.s32 $0x6100;
	s24 =	simm.s32 $0xE0  }
0x9: {  	s25 =	simm.s32 $0x7100;
	s26 =	simm.s32 $0x3;
	s28 =	simm.s32 $0x4  }
0xa: {  	v0 =	vlaneseq.u32;
	s29 =	simm.s32 $0x8100;
	s30 =	simm.s32 $0x5;
	s31 =	simm.s32 $0x6  }
0xb: {  	s12 =	simm.s32 $0x9;
	s13 =	simm.s32 $0xA;
	s14 =	simm.s32 $0x8980;
	v0 =	vmul.u32 $0x11, v0  }
0xc: {  	s15 =	simm.s32 $0xB;
	s16 =	simm.s32 $0x0;
	s5 =	sand.u32 $0x1, s5  }
0xd: {  	s9 =	sshll.u32 s9, $0x5;
	s6 =	ssub.s32 $0x2, s5;
	s5 =	sshll.u32 s5, $0x4;
	v1 =	vadd.s32 $0x1, v0;
	v2 =	vadd.s32 $0x2, v0;
	v3 =	vadd.s32 $0x3, v0  }
0xe: {  	[smem:$0x7FF] =	sst s4;
	s8 =	sshrl.u32 s6, $0x1;
	s9 =	sor.u32 s5, s9;
	v4 =	vadd.s32 $0x4, v0;
	v5 =	vadd.s32 $0x5, v0;
	v6 =	vadd.s32 $0x6, v0  }
0xf: {  	_ =	strace $0x80000047;
	v7 =	vadd.s32 $0x7, v0;
	v8 =	vadd.s32 $0x8, v0;
	v9 =	vadd.s32 $0x9, v0;
	s8 =	ssub.s32 s6, s8;
	s5 =	sadd.s32 s0, s9  }
0x10: {  	v10 =	vadd.s32 $0xA, v0;
	v11 =	vadd.s32 $0xB, v0;
	v12 =	vadd.s32 $0xC, v0;
	s6 =	sadd.s32 s3, s9;
	s7 =	sadd.s32 s7, s9;
	s9 =	simm.s32 $0x80  }
0x11: {  	v13 =	vadd.s32 $0xD, v0;
	v14 =	vadd.s32 $0xE, v0;
	v15 =	vadd.s32 $0xF, v0;
	s0 =	simm.s32 $0x7;
	s3 =	simm.s32 $0x8;
	s8 =	smax.u32 s8, $0x1  }
.LBB2_1:
0x12: {  	[tilespmem:s4], [sflag:$0x1] =	stream.linear.gather [hbm4b:s5+s4], $0x80, $0x38;
	[tilespmem:$0x8A00] =	vst v63  }
0x13: {  	_ = 	snop  }
0x14: {  	[tilespmem:s9], [sflag:$0x2] =	stream.linear.gather [hbm4b:s6+s4], $0x80, $0x38;
	[tilespmem:$0x8A00] =	vst v63  }
0x15: {  	_ =	swait.ge [sflag:s10], $0x80  }
0x16: {  	[sflag:s10] =	ssyncset.done $0x0  }
0x17: {  	s17 =	simm.s32 $0x100;
	[sflag:s10] =	ssyncadd.s32 $0xFFFFFF80  }
0x18: {  	[tilespmem:s17], [sflag:$0x3] =	stream.indirect.gather [hbm4b:s1+s11], $0x80, s4, s11, $0xb8;
	[tilespmem:$0x8A00] =	vst v63  }
0x19: {  	s19 =	simm.s32 $0x1100  }
0x1a: {  	[tilespmem:s19], [sflag:$0x5] =	stream.indirect.gather [hbm4b:s1+s11], $0x80, s11, s11, $0xb8;
	[tilespmem:$0x8A00] =	vst v63  }
0x1b: {  	s20 =	simm.s32 $0x40;
	s19 =	simm.s32 $0x2100  }
0x1c: {  	[tilespmem:s19], [sflag:$0x7] =	stream.indirect.gather [hbm4b:s1+s11], $0x80, s20, s11, $0xb8;
	[tilespmem:$0x8A00] =	vst v63  }
0x1d: {  	s19 =	simm.s32 $0x60;
	s20 =	simm.s32 $0x3100  }
0x1e: {  	[tilespmem:s20], [sflag:$0x9] =	stream.indirect.gather [hbm4b:s1+s11], $0x80, s19, s11, $0xb8;
	[tilespmem:$0x8A00] =	vst v63  }
0x1f: {  	_ =	swait.ge [sflag:s18], $0x80  }
0x20: {  	[sflag:s18] =	ssyncset.done $0x0  }
0x21: {  	s19 =	simm.s32 $0x4100;
	[sflag:s18] =	ssyncadd.s32 $0xFFFFFF80  }
0x22: {  	[tilespmem:s19], [sflag:$0x4] =	stream.indirect.gather [hbm4b:s2+s11], $0x80, s9, s11, $0xb8;
	[tilespmem:$0x8A00] =	vst v63  }
0x23: {  	s20 =	simm.s32 $0xA0  }
0x24: {  	[tilespmem:s21], [sflag:$0x6] =	stream.indirect.gather [hbm4b:s2+s11], $0x80, s20, s11, $0xb8;
	[tilespmem:$0x8A00] =	vst v63  }
0x25: {  	_ = 	snop  }
0x26: {  	[tilespmem:s23], [sflag:$0x8] =	stream.indirect.gather [hbm4b:s2+s11], $0x80, s22, s11, $0xb8;
	[tilespmem:$0x8A00] =	vst v63  }
0x27: {  	_ = 	snop  }
0x28: {  	[tilespmem:s25], [sflag:$0xA] =	stream.indirect.gather [hbm4b:s2+s11], $0x80, s24, s11, $0xb8;
	[tilespmem:$0x8A00] =	vst v63  }
0x29: {  	_ =	swait.ge [sflag:s26], $0x1000  }
0x2a: {  	[sflag:s26] =	ssyncset.done $0x0  }
0x2b: {  	[sflag:s26] =	ssyncadd.s32 $0xFFFFF000  }
0x2c: {  	_ =	swait.ge [sflag:s28], $0x1000  }
0x2d: {  	[sflag:s28] =	ssyncset.done $0x0  }
0x2e: {  	s19 =	simm.s32 $0x0;
	[sflag:s28] =	ssyncadd.s32 $0xFFFFF000  }
0x2f: {  	v16 =	vld [tilespmem:s19+$0x100]  }
0x30: {  	v17 =	vld [tilespmem:s19+$0x4100]  }
0x31: {  	v18 =	vld [tilespmem:s19+$0x110]  }
0x32: {  	v19 =	vld [tilespmem:s19+$0x4110]  }
0x33: {  	v20 =	vld [tilespmem:s19+$0x120]  }
0x34: {  	v21 =	vld [tilespmem:s19+$0x4120]  }
0x35: {  	v22 =	vld [tilespmem:s19+$0x130]  }
0x36: {  	v23 =	vld [tilespmem:s19+$0x4130]  }
0x37: {  	v24 =	vld [tilespmem:s19+$0x140]  }
0x38: {  	v25 =	vld [tilespmem:s19+$0x4140]  }
0x39: {  	v26 =	vld [tilespmem:s19+$0x150]  }
0x3a: {  	v27 =	vld [tilespmem:s19+$0x4150]  }
0x3b: {  	v28 =	vld [tilespmem:s19+$0x160]  }
0x3c: {  	v29 =	vld [tilespmem:s19+$0x4160]  }
0x3d: {  	v30 =	vld [tilespmem:s19+$0x170]  }
0x3e: {  	s20 =	simm.s32 $0x80;
	v31 =	vld [tilespmem:s19+$0x4170]  }
0x3f: {  	v32 =	vld [tilespmem:s20+$0x100]  }
0x40: {  	v16 =	vmul.f32 v17, v16;
	v17 =	vmul.f32 v19, v18;
	v18 =	vld [tilespmem:s20+$0x4100]  }
0x41: {  	v19 =	vld [tilespmem:s20+$0x110]  }
0x42: {  	v16 =	vadd.f32 v17, v16;
	v17 =	vmul.f32 v21, v20;
	v20 =	vld [tilespmem:s20+$0x4110]  }
0x43: {  	v21 =	vld [tilespmem:s20+$0x120]  }
0x44: {  	v16 =	vadd.f32 v17, v16;
	v17 =	vmul.f32 v23, v22;
	v22 =	vld [tilespmem:s20+$0x4120]  }
0x45: {  	v59 =	vld [tilespmem:s20+$0x4130]  }
0x46: {  	v23 =	vld [tilespmem:s20+$0x130];
	v16 =	vadd.f32 v17, v16;
	v17 =	vmul.f32 v25, v24  }
0x47: {  	v60 =	vld [tilespmem:s20+$0x4140];
	v18 =	vmul.f32 v18, v32;
	v19 =	vmul.f32 v20, v19  }
0x48: {  	v20 =	vld [tilespmem:s20+$0x140];
	v16 =	vadd.f32 v17, v16;
	v17 =	vmul.f32 v27, v26  }
0x49: {  	v18 =	vadd.f32 v19, v18;
	v19 =	vmul.f32 v22, v21;
	v21 =	vld [tilespmem:s20+$0x150]  }
0x4a: {  	v22 =	vld [tilespmem:s20+$0x4150];
	v16 =	vadd.f32 v17, v16  }
0x4b: {  	v62 =	vld [tilespmem:s20+$0x4160];
	v17 =	vmul.f32 v29, v28;
	v18 =	vadd.f32 v19, v18;
	v19 =	vmul.f32 v59, v23  }
0x4c: {  	v63 =	vmul.f32 v31, v30;
	v23 =	vld [tilespmem:s20+$0x160]  }
0x4d: {  	v61 =	vadd.f32 v17, v16;
	v16 =	vld [tilespmem:s20+$0x170];
	v18 =	vadd.f32 v19, v18;
	v19 =	vmul.f32 v60, v20  }
0x4e: {  	s17 =	simm.s32 $0x100;
	v17 =	vld [tilespmem:s20+$0x4170]  }
0x4f: {  	v20 =	vld [tilespmem:s17+$0x4100];
	v24 =	vadd.f32 v63, v61;
	v21 =	vmul.f32 v22, v21;
	v19 =	vadd.f32 v19, v18  }
0x50: {  	v22 =	vld [tilespmem:s17+$0x110]  }
0x51: {  	s19 =	simm.s32 $0x8100;
	s20 =	simm.s32 $0x600;
	v18 =	vld [tilespmem:s17+$0x100];
	[tilespmem:s29+$0x0] =	vst v24;
	v19 =	vadd.f32 v21, v19;
	v21 =	vmul.f32 v62, v23  }
.LBB2_2:
0x52: {  	p0 =	sne.s32 s20, $0x3E00;
	v23 =	vld [tilespmem:s17+$0x4110]  }
0x53: {  	v24 =	vld [tilespmem:s17+$0x120];
	v19 =	vadd.f32 v21, v19;
	v16 =	vmul.f32 v17, v16  }
0x54: {  	v17 =	vld [tilespmem:s17+$0x4120]  }
0x55: {  	v21 =	vld [tilespmem:s17+$0x130];
	v16 =	vadd.f32 v16, v19  }
0x56: {  	s19 =	sadd.s32 $0x11, s19;
	v19 =	vld [tilespmem:s17+$0x4130]  }
0x57: {  	v18 =	vmul.f32 v20, v18;
	v20 =	vmul.f32 v23, v22;
	v22 =	vld [tilespmem:s17+$0x140];
	[tilespmem:s19+$0x0] =	vst v16  }
0x58: {  	v16 =	vld [tilespmem:s17+$0x4140]  }
0x59: {  	v18 =	vadd.f32 v20, v18;
	v17 =	vmul.f32 v17, v24;
	v20 =	vld [tilespmem:s17+$0x150]  }
0x5a: {  	v23 =	vld [tilespmem:s17+$0x4150]  }
0x5b: {  	v17 =	vadd.f32 v17, v18;
	v18 =	vmul.f32 v19, v21;
	v21 =	vld [tilespmem:s17+$0x160]  }
0x5c: {  	v24 =	vld [tilespmem:s17+$0x4160]  }
.Ltmp0:
0x5d: {  	v19 =	vadd.f32 v18, v17;
	v22 =	vmul.f32 v16, v22;
	v16 =	vld [tilespmem:s17+$0x170];
	(pc) =	sbr.rel @p0 .LBB2_2-.Ltmp0, $4  }
0x5e: {  	v17 =	vld [tilespmem:s17+$0x4170];
	s17 =	sshra.s32 s20, $0x2  }
0x5f: {  	v18 =	vld [tilespmem:s17+$0x100];
	v19 =	vadd.f32 v22, v19;
	v23 =	vmul.f32 v23, v20  }
0x60: {  	v20 =	vld [tilespmem:s17+$0x4100]  }
0x61: {  	s20 =	sadd.s32 $0x200, s20;
	v22 =	vld [tilespmem:s17+$0x110];
	v19 =	vadd.f32 v23, v19;
	v21 =	vmul.f32 v24, v21  }
0x62: {  	v23 =	vld [tilespmem:s17+$0x4110]  }
0x63: {  	v24 =	vld [tilespmem:s17+$0x120]  }
0x64: {  	v25 =	vld [tilespmem:s17+$0x4120]  }
0x65: {  	v26 =	vld [tilespmem:s17+$0x130]  }
0x66: {  	v27 =	vld [tilespmem:s17+$0x4130]  }
0x67: {  	v50 =	vld [tilespmem:s17+$0x140];
	v18 =	vmul.f32 v20, v18;
	v49 =	vmul.f32 v23, v22  }
0x68: {  	v51 =	vld [tilespmem:s17+$0x4140]  }
0x69: {  	v53 =	vld [tilespmem:s17+$0x150];
	v52 =	vmul.f32 v25, v24;
	v18 =	vadd.f32 v49, v18  }
0x6a: {  	v54 =	vld [tilespmem:s17+$0x4150]  }
0x6b: {  	v56 =	vld [tilespmem:s17+$0x160];
	v55 =	vmul.f32 v27, v26;
	v18 =	vadd.f32 v52, v18  }
0x6c: {  	v57 =	vld [tilespmem:s17+$0x4160]  }
0x6d: {  	v59 =	vld [tilespmem:s17+$0x170];
	v58 =	vmul.f32 v51, v50;
	v18 =	vadd.f32 v55, v18  }
0x6e: {  	v60 =	vld [tilespmem:s17+$0x4170]  }
0x6f: {  	v61 =	vmul.f32 v54, v53;
	v18 =	vadd.f32 v58, v18;
	_ =	sdelay $0x1  }
0x70: {  	v62 =	vmul.f32 v57, v56;
	v18 =	vadd.f32 v61, v18  }
0x71: {  	v19 =	vadd.f32 v21, v19;
	v16 =	vmul.f32 v17, v16  }
0x72: {  	v63 =	vmul.f32 v60, v59;
	v17 =	vadd.f32 v62, v18  }
0x73: {  	v16 =	vadd.f32 v16, v19  }
0x74: {  	s20 =	sadd.s32 $0x11, s19;
	v17 =	vadd.f32 v63, v17  }
0x75: {  	s17 =	sadd.s32 $0x11, s20;
	[tilespmem:s20+$0x0] =	vst v16  }
0x76: {  	p0 =	por $0x1, $0x1;
	[tilespmem:s17+$0x0] =	vst v17;
	s17 =	simm.s32 $0x0  }
.LBB2_4:
0x77: {  	v16 =	vmov s17  }
0x78: {  	v16 =	vmul.u32 $0x11, v16;
	_ =	sdelay $0x1  }
0x79: {  	v16 =	vbroadcast v16, $0x0;
	_ =	sdelay $0x1  }
0x7a: {  	v17 =	vadd.s32 v0, v16  }
0x7b: {  	v18 =	vadd.s32 v1, v16;
	_ =	sdelay $0x1  }
0x7c: {  	v19 =	vadd.s32 v2, v16;
	_ =	sdelay $0x1  }
0x7d: {  	v20 =	vadd.s32 v3, v16;
	v17 =	vld.idx.msk [tilespmem:v17+s29+$0x0], $0xffff  }
0x7e: {  	v18 =	vld.idx.msk [tilespmem:v18+s29+$0x0], $0xffff  }
0x7f: {  	v21 =	vadd.s32 v4, v16  }
0x80: {  	v19 =	vld.idx.msk [tilespmem:v19+s29+$0x0], $0xffff  }
0x81: {  	v22 =	vadd.s32 v5, v16  }
0x82: {  	v20 =	vld.idx.msk [tilespmem:v20+s29+$0x0], $0xffff  }
0x83: {  	v54 =	vadd.s32 v6, v16;
	v17 =	vadd.f32 v18, v17  }
0x84: {  	v21 =	vld.idx.msk [tilespmem:v21+s29+$0x0], $0xffff  }
0x85: {  	v55 =	vadd.s32 v7, v16;
	v17 =	vadd.f32 v19, v17  }
0x86: {  	v22 =	vld.idx.msk [tilespmem:v22+s29+$0x0], $0xffff  }
0x87: {  	v56 =	vadd.s32 v8, v16;
	v17 =	vadd.f32 v20, v17  }
0x88: {  	v18 =	vld.idx.msk [tilespmem:v54+s29+$0x0], $0xffff  }
0x89: {  	v57 =	vadd.s32 v9, v16;
	v17 =	vadd.f32 v21, v17  }
0x8a: {  	v19 =	vld.idx.msk [tilespmem:v55+s29+$0x0], $0xffff  }
0x8b: {  	v58 =	vadd.s32 v10, v16;
	v17 =	vadd.f32 v22, v17  }
0x8c: {  	v20 =	vld.idx.msk [tilespmem:v56+s29+$0x0], $0xffff  }
0x8d: {  	v59 =	vadd.s32 v11, v16;
	v17 =	vadd.f32 v18, v17  }
0x8e: {  	v21 =	vld.idx.msk [tilespmem:v57+s29+$0x0], $0xffff  }
0x8f: {  	v60 =	vadd.s32 v12, v16;
	v17 =	vadd.f32 v19, v17  }
0x90: {  	v22 =	vld.idx.msk [tilespmem:v58+s29+$0x0], $0xffff  }
0x91: {  	v61 =	vadd.s32 v13, v16;
	v17 =	vadd.f32 v20, v17  }
0x92: {  	v18 =	vld.idx.msk [tilespmem:v59+s29+$0x0], $0xffff  }
0x93: {  	v62 =	vadd.s32 v14, v16;
	v17 =	vadd.f32 v21, v17  }
0x94: {  	v19 =	vld.idx.msk [tilespmem:v60+s29+$0x0], $0xffff  }
0x95: {  	v16 =	vadd.s32 v15, v16;
	v17 =	vadd.f32 v22, v17  }
0x96: {  	v20 =	vld.idx.msk [tilespmem:v61+s29+$0x0], $0xffff  }
0x97: {  	v17 =	vadd.f32 v18, v17  }
0x98: {  	v63 =	vld.idx.msk [tilespmem:v62+s29+$0x0], $0xffff  }
0x99: {  	v17 =	vadd.f32 v19, v17  }
0x9a: {  	v16 =	vld.idx.msk [tilespmem:v16+s29+$0x0], $0xffff  }
0x9b: {  	v17 =	vadd.f32 v20, v17  }
0x9c: {  	p1 =	por p0, p0  }
.Ltmp1:
0x9d: {  	v17 =	vadd.f32 v63, v17;
	(pc) =	sbr.rel @p1 .LBB2_4-.Ltmp1, $3  }
0x9e: {  	_ = 	snop  }
0x9f: {  	v16 =	vadd.f32 v16, v17;
	_ =	sdelay $0x1  }
0xa0: {  	p0 =	por $0x0, $0x0;
	[tilespmem:s17+$0x8980] =	vst v16;
	s17 =	simm.s32 $0x10  }
0xa1: {  	_ =	swait.ge [sflag:s30], $0x1000  }
0xa2: {  	[sflag:s30] =	ssyncset.done $0x0  }
0xa3: {  	[sflag:s30] =	ssyncadd.s32 $0xFFFFF000  }
0xa4: {  	_ =	swait.ge [sflag:s31], $0x1000  }
0xa5: {  	[sflag:s31] =	ssyncset.done $0x0  }
0xa6: {  	s17 =	simm.s32 $0x0;
	[sflag:s31] =	ssyncadd.s32 $0xFFFFF000  }
0xa7: {  	v16 =	vld [tilespmem:s17+$0x1100]  }
0xa8: {  	v17 =	vld [tilespmem:s17+$0x5100]  }
0xa9: {  	v18 =	vld [tilespmem:s17+$0x1110]  }
0xaa: {  	v19 =	vld [tilespmem:s17+$0x5110]  }
0xab: {  	v20 =	vld [tilespmem:s17+$0x1120]  }
0xac: {  	v21 =	vld [tilespmem:s17+$0x5120]  }
0xad: {  	v22 =	vld [tilespmem:s17+$0x1130]  }
0xae: {  	v23 =	vld [tilespmem:s17+$0x5130]  }
0xaf: {  	v24 =	vld [tilespmem:s17+$0x1140]  }
0xb0: {  	v25 =	vld [tilespmem:s17+$0x5140]  }
0xb1: {  	v26 =	vld [tilespmem:s17+$0x1150]  }
0xb2: {  	v27 =	vld [tilespmem:s17+$0x5150]  }
0xb3: {  	v28 =	vld [tilespmem:s17+$0x1160]  }
0xb4: {  	v29 =	vld [tilespmem:s17+$0x5160]  }
0xb5: {  	v30 =	vld [tilespmem:s17+$0x1170]  }
0xb6: {  	s20 =	simm.s32 $0x80;
	v31 =	vld [tilespmem:s17+$0x5170]  }
0xb7: {  	v32 =	vld [tilespmem:s20+$0x1100]  }
0xb8: {  	v16 =	vmul.f32 v17, v16;
	v17 =	vmul.f32 v19, v18;
	v18 =	vld [tilespmem:s20+$0x5100]  }
0xb9: {  	v19 =	vld [tilespmem:s20+$0x1110]  }
0xba: {  	v16 =	vadd.f32 v17, v16;
	v17 =	vmul.f32 v21, v20;
	v20 =	vld [tilespmem:s20+$0x5110]  }
0xbb: {  	v21 =	vld [tilespmem:s20+$0x1120]  }
0xbc: {  	v16 =	vadd.f32 v17, v16;
	v17 =	vmul.f32 v23, v22;
	v22 =	vld [tilespmem:s20+$0x5120]  }
0xbd: {  	v59 =	vld [tilespmem:s20+$0x5130]  }
0xbe: {  	v23 =	vld [tilespmem:s20+$0x1130];
	v16 =	vadd.f32 v17, v16;
	v17 =	vmul.f32 v25, v24  }
0xbf: {  	v60 =	vld [tilespmem:s20+$0x5140];
	v18 =	vmul.f32 v18, v32;
	v19 =	vmul.f32 v20, v19  }
0xc0: {  	v20 =	vld [tilespmem:s20+$0x1140];
	v16 =	vadd.f32 v17, v16;
	v17 =	vmul.f32 v27, v26  }
0xc1: {  	v18 =	vadd.f32 v19, v18;
	v19 =	vmul.f32 v22, v21;
	v21 =	vld [tilespmem:s20+$0x1150]  }
0xc2: {  	v22 =	vld [tilespmem:s20+$0x5150];
	v16 =	vadd.f32 v17, v16  }
0xc3: {  	v62 =	vld [tilespmem:s20+$0x5160];
	v17 =	vmul.f32 v29, v28;
	v18 =	vadd.f32 v19, v18;
	v19 =	vmul.f32 v59, v23  }
0xc4: {  	v63 =	vmul.f32 v31, v30;
	v23 =	vld [tilespmem:s20+$0x1160]  }
0xc5: {  	v61 =	vadd.f32 v17, v16;
	v16 =	vld [tilespmem:s20+$0x1170];
	v18 =	vadd.f32 v19, v18;
	v19 =	vmul.f32 v60, v20  }
0xc6: {  	s19 =	simm.s32 $0x100;
	v17 =	vld [tilespmem:s20+$0x5170]  }
0xc7: {  	v20 =	vld [tilespmem:s19+$0x5100];
	v24 =	vadd.f32 v63, v61;
	v21 =	vmul.f32 v22, v21;
	v19 =	vadd.f32 v19, v18  }
0xc8: {  	s17 =	simm.s32 $0x8320;
	v22 =	vld [tilespmem:s19+$0x1110]  }
0xc9: {  	s20 =	simm.s32 $0x600;
	v18 =	vld [tilespmem:s19+$0x1100];
	[tilespmem:s17+$0x0] =	vst v24;
	v19 =	vadd.f32 v21, v19;
	v21 =	vmul.f32 v62, v23  }
.LBB2_6:
0xca: {  	p0 =	sne.s32 s20, $0x3E00;
	v23 =	vld [tilespmem:s19+$0x5110]  }
0xcb: {  	v24 =	vld [tilespmem:s19+$0x1120];
	v19 =	vadd.f32 v21, v19;
	v16 =	vmul.f32 v17, v16  }
0xcc: {  	v17 =	vld [tilespmem:s19+$0x5120]  }
0xcd: {  	v21 =	vld [tilespmem:s19+$0x1130];
	v16 =	vadd.f32 v16, v19  }
0xce: {  	s17 =	sadd.s32 $0x11, s17;
	v19 =	vld [tilespmem:s19+$0x5130]  }
0xcf: {  	v18 =	vmul.f32 v20, v18;
	v20 =	vmul.f32 v23, v22;
	v22 =	vld [tilespmem:s19+$0x1140];
	[tilespmem:s17+$0x0] =	vst v16  }
0xd0: {  	v16 =	vld [tilespmem:s19+$0x5140]  }
0xd1: {  	v18 =	vadd.f32 v20, v18;
	v17 =	vmul.f32 v17, v24;
	v20 =	vld [tilespmem:s19+$0x1150]  }
0xd2: {  	v23 =	vld [tilespmem:s19+$0x5150]  }
0xd3: {  	v17 =	vadd.f32 v17, v18;
	v18 =	vmul.f32 v19, v21;
	v21 =	vld [tilespmem:s19+$0x1160]  }
0xd4: {  	v24 =	vld [tilespmem:s19+$0x5160]  }
.Ltmp2:
0xd5: {  	v19 =	vadd.f32 v18, v17;
	v22 =	vmul.f32 v16, v22;
	v16 =	vld [tilespmem:s19+$0x1170];
	(pc) =	sbr.rel @p0 .LBB2_6-.Ltmp2, $4  }
0xd6: {  	v17 =	vld [tilespmem:s19+$0x5170];
	s19 =	sshra.s32 s20, $0x2  }
0xd7: {  	v18 =	vld [tilespmem:s19+$0x1100];
	v19 =	vadd.f32 v22, v19;
	v23 =	vmul.f32 v23, v20  }
0xd8: {  	v20 =	vld [tilespmem:s19+$0x5100]  }
0xd9: {  	s20 =	sadd.s32 $0x200, s20;
	v22 =	vld [tilespmem:s19+$0x1110];
	v19 =	vadd.f32 v23, v19;
	v21 =	vmul.f32 v24, v21  }
0xda: {  	v23 =	vld [tilespmem:s19+$0x5110]  }
0xdb: {  	v24 =	vld [tilespmem:s19+$0x1120]  }
0xdc: {  	v25 =	vld [tilespmem:s19+$0x5120]  }
0xdd: {  	v26 =	vld [tilespmem:s19+$0x1130]  }
0xde: {  	v27 =	vld [tilespmem:s19+$0x5130]  }
0xdf: {  	v50 =	vld [tilespmem:s19+$0x1140];
	v18 =	vmul.f32 v20, v18;
	v49 =	vmul.f32 v23, v22  }
0xe0: {  	v51 =	vld [tilespmem:s19+$0x5140]  }
0xe1: {  	v53 =	vld [tilespmem:s19+$0x1150];
	v52 =	vmul.f32 v25, v24;
	v18 =	vadd.f32 v49, v18  }
0xe2: {  	v54 =	vld [tilespmem:s19+$0x5150]  }
0xe3: {  	v56 =	vld [tilespmem:s19+$0x1160];
	v55 =	vmul.f32 v27, v26;
	v18 =	vadd.f32 v52, v18  }
0xe4: {  	v57 =	vld [tilespmem:s19+$0x5160]  }
0xe5: {  	v59 =	vld [tilespmem:s19+$0x1170];
	v58 =	vmul.f32 v51, v50;
	v18 =	vadd.f32 v55, v18  }
0xe6: {  	v60 =	vld [tilespmem:s19+$0x5170]  }
0xe7: {  	v61 =	vmul.f32 v54, v53;
	v18 =	vadd.f32 v58, v18;
	_ =	sdelay $0x1  }
0xe8: {  	v62 =	vmul.f32 v57, v56;
	v18 =	vadd.f32 v61, v18  }
0xe9: {  	v19 =	vadd.f32 v21, v19;
	v16 =	vmul.f32 v17, v16  }
0xea: {  	v63 =	vmul.f32 v60, v59;
	v17 =	vadd.f32 v62, v18  }
0xeb: {  	v16 =	vadd.f32 v16, v19  }
0xec: {  	s17 =	sadd.s32 $0x11, s17;
	v17 =	vadd.f32 v63, v17  }
0xed: {  	[tilespmem:s17+$0x0] =	vst v16;
	s17 =	sadd.s32 $0x11, s17  }
0xee: {  	s19 =	simm.s32 $0x89A0;
	[tilespmem:s17+$0x0] =	vst v17;
	s17 =	simm.s32 $0x20  }
.LBB2_8:
0xef: {  	v16 =	vmov s17  }
0xf0: {  	v16 =	vmul.u32 $0x11, v16;
	_ =	sdelay $0x1  }
0xf1: {  	v16 =	vbroadcast v16, $0x0;
	_ =	sdelay $0x1  }
0xf2: {  	v17 =	vadd.s32 v0, v16  }
0xf3: {  	v18 =	vadd.s32 v1, v16;
	_ =	sdelay $0x1  }
0xf4: {  	v19 =	vadd.s32 v2, v16;
	_ =	sdelay $0x1  }
0xf5: {  	v20 =	vadd.s32 v3, v16;
	v17 =	vld.idx.msk [tilespmem:v17+s29+$0x0], $0xffff  }
0xf6: {  	v18 =	vld.idx.msk [tilespmem:v18+s29+$0x0], $0xffff  }
0xf7: {  	v21 =	vadd.s32 v4, v16  }
0xf8: {  	v19 =	vld.idx.msk [tilespmem:v19+s29+$0x0], $0xffff  }
0xf9: {  	v22 =	vadd.s32 v5, v16  }
0xfa: {  	v20 =	vld.idx.msk [tilespmem:v20+s29+$0x0], $0xffff  }
0xfb: {  	v54 =	vadd.s32 v6, v16;
	v17 =	vadd.f32 v18, v17  }
0xfc: {  	v21 =	vld.idx.msk [tilespmem:v21+s29+$0x0], $0xffff  }
0xfd: {  	v55 =	vadd.s32 v7, v16;
	v17 =	vadd.f32 v19, v17  }
0xfe: {  	v22 =	vld.idx.msk [tilespmem:v22+s29+$0x0], $0xffff  }
0xff: {  	v56 =	vadd.s32 v8, v16;
	v17 =	vadd.f32 v20, v17  }
0x100: {  	v18 =	vld.idx.msk [tilespmem:v54+s29+$0x0], $0xffff  }
0x101: {  	v57 =	vadd.s32 v9, v16;
	v17 =	vadd.f32 v21, v17  }
0x102: {  	v19 =	vld.idx.msk [tilespmem:v55+s29+$0x0], $0xffff  }
0x103: {  	v58 =	vadd.s32 v10, v16;
	v17 =	vadd.f32 v22, v17  }
0x104: {  	v20 =	vld.idx.msk [tilespmem:v56+s29+$0x0], $0xffff  }
0x105: {  	v59 =	vadd.s32 v11, v16;
	v17 =	vadd.f32 v18, v17  }
0x106: {  	v21 =	vld.idx.msk [tilespmem:v57+s29+$0x0], $0xffff  }
0x107: {  	v60 =	vadd.s32 v12, v16;
	v17 =	vadd.f32 v19, v17  }
0x108: {  	v22 =	vld.idx.msk [tilespmem:v58+s29+$0x0], $0xffff  }
0x109: {  	v61 =	vadd.s32 v13, v16;
	v17 =	vadd.f32 v20, v17  }
0x10a: {  	v18 =	vld.idx.msk [tilespmem:v59+s29+$0x0], $0xffff  }
0x10b: {  	v62 =	vadd.s32 v14, v16;
	v17 =	vadd.f32 v21, v17  }
0x10c: {  	v19 =	vld.idx.msk [tilespmem:v60+s29+$0x0], $0xffff  }
0x10d: {  	v16 =	vadd.s32 v15, v16;
	v17 =	vadd.f32 v22, v17  }
0x10e: {  	v20 =	vld.idx.msk [tilespmem:v61+s29+$0x0], $0xffff  }
0x10f: {  	v17 =	vadd.f32 v18, v17  }
0x110: {  	v63 =	vld.idx.msk [tilespmem:v62+s29+$0x0], $0xffff  }
0x111: {  	v17 =	vadd.f32 v19, v17  }
0x112: {  	v16 =	vld.idx.msk [tilespmem:v16+s29+$0x0], $0xffff  }
0x113: {  	v17 =	vadd.f32 v20, v17  }
0x114: {  	p0 =	sne.s32 s17, $0x30  }
.Ltmp3:
0x115: {  	v17 =	vadd.f32 v63, v17;
	(pc) =	sbr.rel @p0 .LBB2_8-.Ltmp3, $3  }
0x116: {  	_ = 	snop  }
0x117: {  	v16 =	vadd.f32 v16, v17;
	_ =	sdelay $0x1  }
0x118: {  	s17 =	sadd.s32 $0x10, s17;
	[tilespmem:s19+$0x0] =	vst v16;
	s19 =	sadd.s32 $0x10, s19  }
0x119: {  	_ =	swait.ge [sflag:s0], $0x1000  }
0x11a: {  	[sflag:s0] =	ssyncset.done $0x0  }
0x11b: {  	[sflag:s0] =	ssyncadd.s32 $0xFFFFF000  }
0x11c: {  	_ =	swait.ge [sflag:s3], $0x1000  }
0x11d: {  	[sflag:s3] =	ssyncset.done $0x0  }
0x11e: {  	s17 =	simm.s32 $0x0;
	[sflag:s3] =	ssyncadd.s32 $0xFFFFF000  }
0x11f: {  	v16 =	vld [tilespmem:s17+$0x2100]  }
0x120: {  	v17 =	vld [tilespmem:s17+$0x6100]  }
0x121: {  	v18 =	vld [tilespmem:s17+$0x2110]  }
0x122: {  	v19 =	vld [tilespmem:s17+$0x6110]  }
0x123: {  	v20 =	vld [tilespmem:s17+$0x2120]  }
0x124: {  	v21 =	vld [tilespmem:s17+$0x6120]  }
0x125: {  	v22 =	vld [tilespmem:s17+$0x2130]  }
0x126: {  	v23 =	vld [tilespmem:s17+$0x6130]  }
0x127: {  	v24 =	vld [tilespmem:s17+$0x2140]  }
0x128: {  	v25 =	vld [tilespmem:s17+$0x6140]  }
0x129: {  	v26 =	vld [tilespmem:s17+$0x2150]  }
0x12a: {  	v27 =	vld [tilespmem:s17+$0x6150]  }
0x12b: {  	v28 =	vld [tilespmem:s17+$0x2160]  }
0x12c: {  	v29 =	vld [tilespmem:s17+$0x6160]  }
0x12d: {  	v30 =	vld [tilespmem:s17+$0x2170]  }
0x12e: {  	s20 =	simm.s32 $0x80;
	v31 =	vld [tilespmem:s17+$0x6170]  }
0x12f: {  	v32 =	vld [tilespmem:s20+$0x2100]  }
0x130: {  	v16 =	vmul.f32 v17, v16;
	v17 =	vmul.f32 v19, v18;
	v18 =	vld [tilespmem:s20+$0x6100]  }
0x131: {  	v19 =	vld [tilespmem:s20+$0x2110]  }
0x132: {  	v16 =	vadd.f32 v17, v16;
	v17 =	vmul.f32 v21, v20;
	v20 =	vld [tilespmem:s20+$0x6110]  }
0x133: {  	v21 =	vld [tilespmem:s20+$0x2120]  }
0x134: {  	v16 =	vadd.f32 v17, v16;
	v17 =	vmul.f32 v23, v22;
	v22 =	vld [tilespmem:s20+$0x6120]  }
0x135: {  	v59 =	vld [tilespmem:s20+$0x6130]  }
0x136: {  	v23 =	vld [tilespmem:s20+$0x2130];
	v16 =	vadd.f32 v17, v16;
	v17 =	vmul.f32 v25, v24  }
0x137: {  	v60 =	vld [tilespmem:s20+$0x6140];
	v18 =	vmul.f32 v18, v32;
	v19 =	vmul.f32 v20, v19  }
0x138: {  	v20 =	vld [tilespmem:s20+$0x2140];
	v16 =	vadd.f32 v17, v16;
	v17 =	vmul.f32 v27, v26  }
0x139: {  	v18 =	vadd.f32 v19, v18;
	v19 =	vmul.f32 v22, v21;
	v21 =	vld [tilespmem:s20+$0x2150]  }
0x13a: {  	v22 =	vld [tilespmem:s20+$0x6150];
	v16 =	vadd.f32 v17, v16  }
0x13b: {  	v62 =	vld [tilespmem:s20+$0x6160];
	v17 =	vmul.f32 v29, v28;
	v18 =	vadd.f32 v19, v18;
	v19 =	vmul.f32 v59, v23  }
0x13c: {  	v63 =	vmul.f32 v31, v30;
	v23 =	vld [tilespmem:s20+$0x2160]  }
0x13d: {  	v61 =	vadd.f32 v17, v16;
	v16 =	vld [tilespmem:s20+$0x2170];
	v18 =	vadd.f32 v19, v18;
	v19 =	vmul.f32 v60, v20  }
0x13e: {  	s19 =	simm.s32 $0x100;
	v17 =	vld [tilespmem:s20+$0x6170]  }
0x13f: {  	v20 =	vld [tilespmem:s19+$0x6100];
	v24 =	vadd.f32 v63, v61;
	v21 =	vmul.f32 v22, v21;
	v19 =	vadd.f32 v19, v18  }
0x140: {  	s17 =	simm.s32 $0x8540;
	v22 =	vld [tilespmem:s19+$0x2110]  }
0x141: {  	s20 =	simm.s32 $0x600;
	v18 =	vld [tilespmem:s19+$0x2100];
	[tilespmem:s17+$0x0] =	vst v24;
	v19 =	vadd.f32 v21, v19;
	v21 =	vmul.f32 v62, v23  }
.LBB2_10:
0x142: {  	p0 =	sne.s32 s20, $0x3E00;
	v23 =	vld [tilespmem:s19+$0x6110]  }
0x143: {  	v24 =	vld [tilespmem:s19+$0x2120];
	v19 =	vadd.f32 v21, v19;
	v16 =	vmul.f32 v17, v16  }
0x144: {  	v17 =	vld [tilespmem:s19+$0x6120]  }
0x145: {  	v21 =	vld [tilespmem:s19+$0x2130];
	v16 =	vadd.f32 v16, v19  }
0x146: {  	s17 =	sadd.s32 $0x11, s17;
	v19 =	vld [tilespmem:s19+$0x6130]  }
0x147: {  	v18 =	vmul.f32 v20, v18;
	v20 =	vmul.f32 v23, v22;
	v22 =	vld [tilespmem:s19+$0x2140];
	[tilespmem:s17+$0x0] =	vst v16  }
0x148: {  	v16 =	vld [tilespmem:s19+$0x6140]  }
0x149: {  	v18 =	vadd.f32 v20, v18;
	v17 =	vmul.f32 v17, v24;
	v20 =	vld [tilespmem:s19+$0x2150]  }
0x14a: {  	v23 =	vld [tilespmem:s19+$0x6150]  }
0x14b: {  	v17 =	vadd.f32 v17, v18;
	v18 =	vmul.f32 v19, v21;
	v21 =	vld [tilespmem:s19+$0x2160]  }
0x14c: {  	v24 =	vld [tilespmem:s19+$0x6160]  }
.Ltmp4:
0x14d: {  	v19 =	vadd.f32 v18, v17;
	v22 =	vmul.f32 v16, v22;
	v16 =	vld [tilespmem:s19+$0x2170];
	(pc) =	sbr.rel @p0 .LBB2_10-.Ltmp4, $4  }
0x14e: {  	v17 =	vld [tilespmem:s19+$0x6170];
	s19 =	sshra.s32 s20, $0x2  }
0x14f: {  	v18 =	vld [tilespmem:s19+$0x2100];
	v19 =	vadd.f32 v22, v19;
	v23 =	vmul.f32 v23, v20  }
0x150: {  	v20 =	vld [tilespmem:s19+$0x6100]  }
0x151: {  	s20 =	sadd.s32 $0x200, s20;
	v22 =	vld [tilespmem:s19+$0x2110];
	v19 =	vadd.f32 v23, v19;
	v21 =	vmul.f32 v24, v21  }
0x152: {  	v23 =	vld [tilespmem:s19+$0x6110]  }
0x153: {  	v24 =	vld [tilespmem:s19+$0x2120]  }
0x154: {  	v25 =	vld [tilespmem:s19+$0x6120]  }
0x155: {  	v26 =	vld [tilespmem:s19+$0x2130]  }
0x156: {  	v27 =	vld [tilespmem:s19+$0x6130]  }
0x157: {  	v50 =	vld [tilespmem:s19+$0x2140];
	v18 =	vmul.f32 v20, v18;
	v49 =	vmul.f32 v23, v22  }
0x158: {  	v51 =	vld [tilespmem:s19+$0x6140]  }
0x159: {  	v53 =	vld [tilespmem:s19+$0x2150];
	v52 =	vmul.f32 v25, v24;
	v18 =	vadd.f32 v49, v18  }
0x15a: {  	v54 =	vld [tilespmem:s19+$0x6150]  }
0x15b: {  	v56 =	vld [tilespmem:s19+$0x2160];
	v55 =	vmul.f32 v27, v26;
	v18 =	vadd.f32 v52, v18  }
0x15c: {  	v57 =	vld [tilespmem:s19+$0x6160]  }
0x15d: {  	v59 =	vld [tilespmem:s19+$0x2170];
	v58 =	vmul.f32 v51, v50;
	v18 =	vadd.f32 v55, v18  }
0x15e: {  	v60 =	vld [tilespmem:s19+$0x6170]  }
0x15f: {  	v61 =	vmul.f32 v54, v53;
	v18 =	vadd.f32 v58, v18;
	_ =	sdelay $0x1  }
0x160: {  	v62 =	vmul.f32 v57, v56;
	v18 =	vadd.f32 v61, v18  }
0x161: {  	v19 =	vadd.f32 v21, v19;
	v16 =	vmul.f32 v17, v16  }
0x162: {  	v63 =	vmul.f32 v60, v59;
	v17 =	vadd.f32 v62, v18  }
0x163: {  	v16 =	vadd.f32 v16, v19  }
0x164: {  	s17 =	sadd.s32 $0x11, s17;
	v17 =	vadd.f32 v63, v17  }
0x165: {  	[tilespmem:s17+$0x0] =	vst v16;
	s17 =	sadd.s32 $0x11, s17  }
0x166: {  	s19 =	simm.s32 $0x89C0;
	[tilespmem:s17+$0x0] =	vst v17;
	s17 =	simm.s32 $0x40  }
.LBB2_12:
0x167: {  	v16 =	vmov s17  }
0x168: {  	v16 =	vmul.u32 $0x11, v16;
	_ =	sdelay $0x1  }
0x169: {  	v16 =	vbroadcast v16, $0x0;
	_ =	sdelay $0x1  }
0x16a: {  	v17 =	vadd.s32 v0, v16  }
0x16b: {  	v18 =	vadd.s32 v1, v16;
	_ =	sdelay $0x1  }
0x16c: {  	v19 =	vadd.s32 v2, v16;
	_ =	sdelay $0x1  }
0x16d: {  	v20 =	vadd.s32 v3, v16;
	v17 =	vld.idx.msk [tilespmem:v17+s29+$0x0], $0xffff  }
0x16e: {  	v18 =	vld.idx.msk [tilespmem:v18+s29+$0x0], $0xffff  }
0x16f: {  	v21 =	vadd.s32 v4, v16  }
0x170: {  	v19 =	vld.idx.msk [tilespmem:v19+s29+$0x0], $0xffff  }
0x171: {  	v22 =	vadd.s32 v5, v16  }
0x172: {  	v20 =	vld.idx.msk [tilespmem:v20+s29+$0x0], $0xffff  }
0x173: {  	v54 =	vadd.s32 v6, v16;
	v17 =	vadd.f32 v18, v17  }
0x174: {  	v21 =	vld.idx.msk [tilespmem:v21+s29+$0x0], $0xffff  }
0x175: {  	v55 =	vadd.s32 v7, v16;
	v17 =	vadd.f32 v19, v17  }
0x176: {  	v22 =	vld.idx.msk [tilespmem:v22+s29+$0x0], $0xffff  }
0x177: {  	v56 =	vadd.s32 v8, v16;
	v17 =	vadd.f32 v20, v17  }
0x178: {  	v18 =	vld.idx.msk [tilespmem:v54+s29+$0x0], $0xffff  }
0x179: {  	v57 =	vadd.s32 v9, v16;
	v17 =	vadd.f32 v21, v17  }
0x17a: {  	v19 =	vld.idx.msk [tilespmem:v55+s29+$0x0], $0xffff  }
0x17b: {  	v58 =	vadd.s32 v10, v16;
	v17 =	vadd.f32 v22, v17  }
0x17c: {  	v20 =	vld.idx.msk [tilespmem:v56+s29+$0x0], $0xffff  }
0x17d: {  	v59 =	vadd.s32 v11, v16;
	v17 =	vadd.f32 v18, v17  }
0x17e: {  	v21 =	vld.idx.msk [tilespmem:v57+s29+$0x0], $0xffff  }
0x17f: {  	v60 =	vadd.s32 v12, v16;
	v17 =	vadd.f32 v19, v17  }
0x180: {  	v22 =	vld.idx.msk [tilespmem:v58+s29+$0x0], $0xffff  }
0x181: {  	v61 =	vadd.s32 v13, v16;
	v17 =	vadd.f32 v20, v17  }
0x182: {  	v18 =	vld.idx.msk [tilespmem:v59+s29+$0x0], $0xffff  }
0x183: {  	v62 =	vadd.s32 v14, v16;
	v17 =	vadd.f32 v21, v17  }
0x184: {  	v19 =	vld.idx.msk [tilespmem:v60+s29+$0x0], $0xffff  }
0x185: {  	v16 =	vadd.s32 v15, v16;
	v17 =	vadd.f32 v22, v17  }
0x186: {  	v20 =	vld.idx.msk [tilespmem:v61+s29+$0x0], $0xffff  }
0x187: {  	v17 =	vadd.f32 v18, v17  }
0x188: {  	v63 =	vld.idx.msk [tilespmem:v62+s29+$0x0], $0xffff  }
0x189: {  	v17 =	vadd.f32 v19, v17  }
0x18a: {  	v16 =	vld.idx.msk [tilespmem:v16+s29+$0x0], $0xffff  }
0x18b: {  	v17 =	vadd.f32 v20, v17  }
0x18c: {  	p0 =	sne.s32 s17, $0x50  }
.Ltmp5:
0x18d: {  	v17 =	vadd.f32 v63, v17;
	(pc) =	sbr.rel @p0 .LBB2_12-.Ltmp5, $3  }
0x18e: {  	_ = 	snop  }
0x18f: {  	v16 =	vadd.f32 v16, v17;
	_ =	sdelay $0x1  }
0x190: {  	s17 =	sadd.s32 $0x10, s17;
	[tilespmem:s19+$0x0] =	vst v16;
	s19 =	sadd.s32 $0x10, s19  }
0x191: {  	_ =	swait.ge [sflag:s12], $0x1000  }
0x192: {  	[sflag:s12] =	ssyncset.done $0x0  }
0x193: {  	[sflag:s12] =	ssyncadd.s32 $0xFFFFF000  }
0x194: {  	_ =	swait.ge [sflag:s13], $0x1000  }
0x195: {  	[sflag:s13] =	ssyncset.done $0x0  }
0x196: {  	s17 =	simm.s32 $0x0;
	[sflag:s13] =	ssyncadd.s32 $0xFFFFF000  }
0x197: {  	v16 =	vld [tilespmem:s17+$0x3100]  }
0x198: {  	v17 =	vld [tilespmem:s17+$0x7100]  }
0x199: {  	v18 =	vld [tilespmem:s17+$0x3110]  }
0x19a: {  	v19 =	vld [tilespmem:s17+$0x7110]  }
0x19b: {  	v20 =	vld [tilespmem:s17+$0x3120]  }
0x19c: {  	v21 =	vld [tilespmem:s17+$0x7120]  }
0x19d: {  	v22 =	vld [tilespmem:s17+$0x3130]  }
0x19e: {  	v23 =	vld [tilespmem:s17+$0x7130]  }
0x19f: {  	v24 =	vld [tilespmem:s17+$0x3140]  }
0x1a0: {  	v25 =	vld [tilespmem:s17+$0x7140]  }
0x1a1: {  	v26 =	vld [tilespmem:s17+$0x3150]  }
0x1a2: {  	v27 =	vld [tilespmem:s17+$0x7150]  }
0x1a3: {  	v28 =	vld [tilespmem:s17+$0x3160]  }
0x1a4: {  	v29 =	vld [tilespmem:s17+$0x7160]  }
0x1a5: {  	v30 =	vld [tilespmem:s17+$0x3170]  }
0x1a6: {  	s20 =	simm.s32 $0x80;
	v31 =	vld [tilespmem:s17+$0x7170]  }
0x1a7: {  	v32 =	vld [tilespmem:s20+$0x3100]  }
0x1a8: {  	v16 =	vmul.f32 v17, v16;
	v17 =	vmul.f32 v19, v18;
	v18 =	vld [tilespmem:s20+$0x7100]  }
0x1a9: {  	v19 =	vld [tilespmem:s20+$0x3110]  }
0x1aa: {  	v16 =	vadd.f32 v17, v16;
	v17 =	vmul.f32 v21, v20;
	v20 =	vld [tilespmem:s20+$0x7110]  }
0x1ab: {  	v21 =	vld [tilespmem:s20+$0x3120]  }
0x1ac: {  	v16 =	vadd.f32 v17, v16;
	v17 =	vmul.f32 v23, v22;
	v22 =	vld [tilespmem:s20+$0x7120]  }
0x1ad: {  	v59 =	vld [tilespmem:s20+$0x7130]  }
0x1ae: {  	v23 =	vld [tilespmem:s20+$0x3130];
	v16 =	vadd.f32 v17, v16;
	v17 =	vmul.f32 v25, v24  }
0x1af: {  	v60 =	vld [tilespmem:s20+$0x7140];
	v18 =	vmul.f32 v18, v32;
	v19 =	vmul.f32 v20, v19  }
0x1b0: {  	v20 =	vld [tilespmem:s20+$0x3140];
	v16 =	vadd.f32 v17, v16;
	v17 =	vmul.f32 v27, v26  }
0x1b1: {  	v18 =	vadd.f32 v19, v18;
	v19 =	vmul.f32 v22, v21;
	v21 =	vld [tilespmem:s20+$0x3150]  }
0x1b2: {  	v22 =	vld [tilespmem:s20+$0x7150];
	v16 =	vadd.f32 v17, v16  }
0x1b3: {  	v62 =	vld [tilespmem:s20+$0x7160];
	v17 =	vmul.f32 v29, v28;
	v18 =	vadd.f32 v19, v18;
	v19 =	vmul.f32 v59, v23  }
0x1b4: {  	v63 =	vmul.f32 v31, v30;
	v23 =	vld [tilespmem:s20+$0x3160]  }
0x1b5: {  	v61 =	vadd.f32 v17, v16;
	v16 =	vld [tilespmem:s20+$0x3170];
	v18 =	vadd.f32 v19, v18;
	v19 =	vmul.f32 v60, v20  }
0x1b6: {  	s19 =	simm.s32 $0x100;
	v17 =	vld [tilespmem:s20+$0x7170]  }
0x1b7: {  	v20 =	vld [tilespmem:s19+$0x7100];
	v24 =	vadd.f32 v63, v61;
	v21 =	vmul.f32 v22, v21;
	v19 =	vadd.f32 v19, v18  }
0x1b8: {  	s17 =	simm.s32 $0x8760;
	v22 =	vld [tilespmem:s19+$0x3110]  }
0x1b9: {  	s20 =	simm.s32 $0x600;
	v18 =	vld [tilespmem:s19+$0x3100];
	[tilespmem:s17+$0x0] =	vst v24;
	v19 =	vadd.f32 v21, v19;
	v21 =	vmul.f32 v62, v23  }
.LBB2_14:
0x1ba: {  	p0 =	sne.s32 s20, $0x3E00;
	v23 =	vld [tilespmem:s19+$0x7110]  }
0x1bb: {  	v24 =	vld [tilespmem:s19+$0x3120];
	v19 =	vadd.f32 v21, v19;
	v16 =	vmul.f32 v17, v16  }
0x1bc: {  	v17 =	vld [tilespmem:s19+$0x7120]  }
0x1bd: {  	v21 =	vld [tilespmem:s19+$0x3130];
	v16 =	vadd.f32 v16, v19  }
0x1be: {  	s17 =	sadd.s32 $0x11, s17;
	v19 =	vld [tilespmem:s19+$0x7130]  }
0x1bf: {  	v18 =	vmul.f32 v20, v18;
	v20 =	vmul.f32 v23, v22;
	v22 =	vld [tilespmem:s19+$0x3140];
	[tilespmem:s17+$0x0] =	vst v16  }
0x1c0: {  	v16 =	vld [tilespmem:s19+$0x7140]  }
0x1c1: {  	v18 =	vadd.f32 v20, v18;
	v17 =	vmul.f32 v17, v24;
	v20 =	vld [tilespmem:s19+$0x3150]  }
0x1c2: {  	v23 =	vld [tilespmem:s19+$0x7150]  }
0x1c3: {  	v17 =	vadd.f32 v17, v18;
	v18 =	vmul.f32 v19, v21;
	v21 =	vld [tilespmem:s19+$0x3160]  }
0x1c4: {  	v24 =	vld [tilespmem:s19+$0x7160]  }
.Ltmp6:
0x1c5: {  	v19 =	vadd.f32 v18, v17;
	v22 =	vmul.f32 v16, v22;
	v16 =	vld [tilespmem:s19+$0x3170];
	(pc) =	sbr.rel @p0 .LBB2_14-.Ltmp6, $4  }
0x1c6: {  	v17 =	vld [tilespmem:s19+$0x7170];
	s19 =	sshra.s32 s20, $0x2  }
0x1c7: {  	v18 =	vld [tilespmem:s19+$0x3100];
	v19 =	vadd.f32 v22, v19;
	v23 =	vmul.f32 v23, v20  }
0x1c8: {  	v20 =	vld [tilespmem:s19+$0x7100]  }
0x1c9: {  	s20 =	sadd.s32 $0x200, s20;
	v22 =	vld [tilespmem:s19+$0x3110];
	v19 =	vadd.f32 v23, v19;
	v21 =	vmul.f32 v24, v21  }
0x1ca: {  	v23 =	vld [tilespmem:s19+$0x7110]  }
0x1cb: {  	v24 =	vld [tilespmem:s19+$0x3120]  }
0x1cc: {  	v25 =	vld [tilespmem:s19+$0x7120]  }
0x1cd: {  	v26 =	vld [tilespmem:s19+$0x3130]  }
0x1ce: {  	v27 =	vld [tilespmem:s19+$0x7130]  }
0x1cf: {  	v50 =	vld [tilespmem:s19+$0x3140];
	v18 =	vmul.f32 v20, v18;
	v49 =	vmul.f32 v23, v22  }
0x1d0: {  	v51 =	vld [tilespmem:s19+$0x7140]  }
0x1d1: {  	v53 =	vld [tilespmem:s19+$0x3150];
	v52 =	vmul.f32 v25, v24;
	v18 =	vadd.f32 v49, v18  }
0x1d2: {  	v54 =	vld [tilespmem:s19+$0x7150]  }
0x1d3: {  	v56 =	vld [tilespmem:s19+$0x3160];
	v55 =	vmul.f32 v27, v26;
	v18 =	vadd.f32 v52, v18  }
0x1d4: {  	v57 =	vld [tilespmem:s19+$0x7160]  }
0x1d5: {  	v59 =	vld [tilespmem:s19+$0x3170];
	v58 =	vmul.f32 v51, v50;
	v18 =	vadd.f32 v55, v18  }
0x1d6: {  	v60 =	vld [tilespmem:s19+$0x7170]  }
0x1d7: {  	v61 =	vmul.f32 v54, v53;
	v18 =	vadd.f32 v58, v18;
	_ =	sdelay $0x1  }
0x1d8: {  	v62 =	vmul.f32 v57, v56;
	v18 =	vadd.f32 v61, v18  }
0x1d9: {  	v19 =	vadd.f32 v21, v19;
	v16 =	vmul.f32 v17, v16  }
0x1da: {  	v63 =	vmul.f32 v60, v59;
	v17 =	vadd.f32 v62, v18  }
0x1db: {  	v16 =	vadd.f32 v16, v19  }
0x1dc: {  	s17 =	sadd.s32 $0x11, s17;
	v17 =	vadd.f32 v63, v17  }
0x1dd: {  	[tilespmem:s17+$0x0] =	vst v16;
	s17 =	sadd.s32 $0x11, s17  }
0x1de: {  	s19 =	simm.s32 $0x89E0;
	[tilespmem:s17+$0x0] =	vst v17;
	s17 =	simm.s32 $0x60  }
.LBB2_16:
0x1df: {  	v16 =	vmov s17  }
0x1e0: {  	v16 =	vmul.u32 $0x11, v16;
	_ =	sdelay $0x1  }
0x1e1: {  	v16 =	vbroadcast v16, $0x0;
	_ =	sdelay $0x1  }
0x1e2: {  	v17 =	vadd.s32 v0, v16  }
0x1e3: {  	v18 =	vadd.s32 v1, v16;
	_ =	sdelay $0x1  }
0x1e4: {  	v19 =	vadd.s32 v2, v16;
	_ =	sdelay $0x1  }
0x1e5: {  	v20 =	vadd.s32 v3, v16;
	v17 =	vld.idx.msk [tilespmem:v17+s29+$0x0], $0xffff  }
0x1e6: {  	v18 =	vld.idx.msk [tilespmem:v18+s29+$0x0], $0xffff  }
0x1e7: {  	v21 =	vadd.s32 v4, v16  }
0x1e8: {  	v19 =	vld.idx.msk [tilespmem:v19+s29+$0x0], $0xffff  }
0x1e9: {  	v22 =	vadd.s32 v5, v16  }
0x1ea: {  	v20 =	vld.idx.msk [tilespmem:v20+s29+$0x0], $0xffff  }
0x1eb: {  	v54 =	vadd.s32 v6, v16;
	v17 =	vadd.f32 v18, v17  }
0x1ec: {  	v21 =	vld.idx.msk [tilespmem:v21+s29+$0x0], $0xffff  }
0x1ed: {  	v55 =	vadd.s32 v7, v16;
	v17 =	vadd.f32 v19, v17  }
0x1ee: {  	v22 =	vld.idx.msk [tilespmem:v22+s29+$0x0], $0xffff  }
0x1ef: {  	v56 =	vadd.s32 v8, v16;
	v17 =	vadd.f32 v20, v17  }
0x1f0: {  	v18 =	vld.idx.msk [tilespmem:v54+s29+$0x0], $0xffff  }
0x1f1: {  	v57 =	vadd.s32 v9, v16;
	v17 =	vadd.f32 v21, v17  }
0x1f2: {  	v19 =	vld.idx.msk [tilespmem:v55+s29+$0x0], $0xffff  }
0x1f3: {  	v58 =	vadd.s32 v10, v16;
	v17 =	vadd.f32 v22, v17  }
0x1f4: {  	v20 =	vld.idx.msk [tilespmem:v56+s29+$0x0], $0xffff  }
0x1f5: {  	v59 =	vadd.s32 v11, v16;
	v17 =	vadd.f32 v18, v17  }
0x1f6: {  	v21 =	vld.idx.msk [tilespmem:v57+s29+$0x0], $0xffff  }
0x1f7: {  	v60 =	vadd.s32 v12, v16;
	v17 =	vadd.f32 v19, v17  }
0x1f8: {  	v22 =	vld.idx.msk [tilespmem:v58+s29+$0x0], $0xffff  }
0x1f9: {  	v61 =	vadd.s32 v13, v16;
	v17 =	vadd.f32 v20, v17  }
0x1fa: {  	v18 =	vld.idx.msk [tilespmem:v59+s29+$0x0], $0xffff  }
0x1fb: {  	v62 =	vadd.s32 v14, v16;
	v17 =	vadd.f32 v21, v17  }
0x1fc: {  	v19 =	vld.idx.msk [tilespmem:v60+s29+$0x0], $0xffff  }
0x1fd: {  	v16 =	vadd.s32 v15, v16;
	v17 =	vadd.f32 v22, v17  }
0x1fe: {  	v20 =	vld.idx.msk [tilespmem:v61+s29+$0x0], $0xffff  }
0x1ff: {  	v17 =	vadd.f32 v18, v17  }
0x200: {  	v63 =	vld.idx.msk [tilespmem:v62+s29+$0x0], $0xffff  }
0x201: {  	v17 =	vadd.f32 v19, v17  }
0x202: {  	v16 =	vld.idx.msk [tilespmem:v16+s29+$0x0], $0xffff  }
0x203: {  	v17 =	vadd.f32 v20, v17  }
0x204: {  	p0 =	sne.s32 s17, $0x70  }
.Ltmp7:
0x205: {  	v17 =	vadd.f32 v63, v17;
	(pc) =	sbr.rel @p0 .LBB2_16-.Ltmp7, $3  }
0x206: {  	_ = 	snop  }
0x207: {  	v16 =	vadd.f32 v16, v17;
	_ =	sdelay $0x1  }
0x208: {  	s17 =	sadd.s32 $0x10, s17;
	[tilespmem:s19+$0x0] =	vst v16;
	s19 =	sadd.s32 $0x10, s19  }
0x209: {  	s16 =	sadd.s32 $0x1, s16  }
0x20a: {  	p0 =	sne.s32 s16, s8  }
.Ltmp8:
0x20b: {  	_ = 	snop;
	(pc) =	sbr.rel @p0 .LBB2_1-.Ltmp8, $4  }
0x20c: {  	[hbm4b:s7+s4] =	stream.linear.scatter [tilespmem:s14], [sflag:$0xB], $0x80, $0x38;
	[tilespmem:$0x8A00] =	vst v63  }
0x20d: {  	_ =	swait.ge [sflag:s15], $0x80  }
0x20e: {  	[sflag:s15] =	ssyncset.done $0x0  }
0x20f: {  	[sflag:s15] =	ssyncadd.s32 $0xFFFFFF80  }
0x210: {  	_ =	sfence.sel $0x180000  }
0x211: {  	[bflag:$0x0] =	sbarrier.arrive $0xFFFF  }
0x212: {  	_ =	strace $0x90000047  }
0x213: {  	s0 =	stileid.u32;
	[bflag:$0x2] =	sbarrier.arrive $0xFFFF  }
0x214: {  	p0 =	sne.s32 s0, $0x0;
	s0 =	rddreg [dreg:$0x5]  }
0x215: {  	s0 =	sadd.s32 @!p0 $0x100000, s0  }
0x216: {  	[sflag:s0] =	ssyncadd.tile.s32 @!p0 $0x1;
	_ =	shalt  }
.Lfunc_end2:
_tile_overlayer_lowered:
.L_overlay_start_2:
0x217: {  	(tag) =	ssettag $0x2  }
0x218: {  	s0 =	rddreg [dreg:$0x0];
	s2 =	stileid.u32  }
0x219: {  	s1 =	rddreg [dreg:$0x1];
	p0 =	sne.s32 s2, $0x0  }
0x21a: {  	s3 =	rddreg [dreg:$0x2];
	[bflag:$0x3] =	sbarrier.arrive $0xFFFF;
	s2 =	simm.s32 @!p0 $0x1C0B  }
0x21b: {  	[timem:s3], [sflag:s2] =	dma.local @!p0 [hbm:s0], s1  }
0x21c: {  	s0 =	simm.s32 @!p0 $0xB  }
0x21d: {  	_ =	swait.ge @!p0 [sflag:s0], s1  }
0x21e: {  	s1 =	ssub.s32 @!p0 $0x0, s1;
	[sflag:s0] =	ssyncset.done @!p0 $0x0  }
0x21f: {  	[sflag:s0] =	ssyncadd.s32 @!p0 s1  }
0x220: {  	[bflag:$0x3] =	sbarrier.arrive $0xFFFF  }
0x221: {  	_ =	shalt  }

</sc_bundles>
